<compile_context>
chip_gen: v7x
topology: tpu7x:2x2x1
jax: 0.10.2.dev20260603
libtpu: 0.0.44.dev20260713+nightly
codegen_flags: <defaults>
</compile_context>

<pallas_src>
import jax
import jax.numpy as jnp
from jax import lax
from jax.experimental import pallas as pl
from jax.experimental.pallas import tpu as pltpu
from jax.experimental.pallas import tpu_sc as plsc

BATCH = 16384
HIST_LEN = 200
FEATURES = 64
N = BATCH * HIST_LEN

NUM_CORES = 2
NUM_SUBCORES = 16
WB = BATCH // (NUM_CORES * NUM_SUBCORES)
PB = 2
NITER = WB // PB
CHUNK = PB * HIST_LEN
L = 16
NQ = FEATURES // L
RB = 16
K = 2


def _body(x_hbm, tab_hbm, out_hbm, x_v, tab_v, rows_v, sem_x, sem_o):
    c = lax.axis_index("c")
    s = lax.axis_index("s")
    w = c * NUM_SUBCORES + s

    def x_copy(i, bx):
        return pltpu.make_async_copy(
            x_hbm.at[pl.ds((w * WB + i * PB) * HIST_LEN, CHUNK)],
            x_v.at[pl.ds(bx * CHUNK, CHUNK)], sem_x)

    def out_copy(i, p):
        slot = lax.rem(i, K)
        return pltpu.make_async_copy(
            rows_v.at[slot, pl.ds(p * HIST_LEN, HIST_LEN)],
            out_hbm.at[w * WB + i * PB + p],
            sem_o.at[slot * PB + p])

    pltpu.sync_copy(tab_hbm, tab_v)
    w0 = [tab_v[0, pl.ds(q * L, L)] for q in range(NQ)]
    w1 = [tab_v[1, pl.ds(q * L, L)] for q in range(NQ)]
    dw = [w1[q] - w0[q] for q in range(NQ)]

    x_copy(0, 0).start()

    def step(i, carry):
        b = lax.rem(i, 2)
        slot = lax.rem(i, K)

        x_copy(i, b).wait()

        @pl.when(i + 1 < NITER)
        def _():
            x_copy(i + 1, 1 - b).start()

        @pl.when(i >= K)
        def _():
            for p in range(PB):
                out_copy(i - K, p).wait()

        def block(j, carry2):
            xf = x_v[pl.ds(b * CHUNK + j * RB, L)].astype(jnp.float32)
            for t in range(RB):
                m = jnp.full((L,), xf[t], jnp.float32)
                for q in range(NQ):
                    rows_v[slot, j * RB + t, pl.ds(q * L, L)] = (
                        w0[q] + m * dw[q])
            return carry2

        lax.fori_loop(0, CHUNK // RB, block, 0)

        for p in range(PB):
            out_copy(i, p).start()
        return carry

    lax.fori_loop(0, NITER, step, 0)

    for k in range(K):
        for p in range(PB):
            out_copy(NITER - 1 - k, p).wait()


@jax.jit
def _lookup(x_flat, table):
    f = pl.kernel(
        _body,
        out_type=jax.ShapeDtypeStruct((BATCH, HIST_LEN, FEATURES),
                                      jnp.float32),
        mesh=plsc.VectorSubcoreMesh(core_axis_name="c", subcore_axis_name="s"),
        scratch_types=[
            pltpu.VMEM((2 * CHUNK,), jnp.int32),
            pltpu.VMEM((2, FEATURES), jnp.float32),
            pltpu.VMEM((K, CHUNK, FEATURES), jnp.float32),
            pltpu.SemaphoreType.DMA,
            pltpu.SemaphoreType.DMA((K * PB,)),
        ],
        compiler_params=pltpu.CompilerParams(
            needs_layout_passes=False, use_tc_tiling_on_sc=True),
    )
    return f(x_flat, table)


def kernel(x, table):
    return _lookup(x.reshape(N), table)

# --- scband reference (transcript-rebuilt; emitter-appended) ---
"""Pipeline reference for scband-embed-demo-88459146428800 (READ-ONLY COPY).

The authoritative reference and input builder live on the scoring server;
editing this copy changes nothing except your own understanding.
"""

import jax, jax.numpy as jnp
import numpy as np

NUM_EMBEDDINGS = 2
FEATURES = 64
BATCH = 16384
HIST_LEN = 200


def setup_inputs(seed: int = 0) -> dict:
    key = jax.random.key(seed)
    k_idx, k_tab = jax.random.split(key)
    x = jax.random.randint(k_idx, (BATCH, HIST_LEN), 0, NUM_EMBEDDINGS, dtype=jnp.int32)
    # Learned parameter: embedding table, sized per the module's hardcoded setup()
    # (flax nn.Embed default init is variance-scaling normal; plain normal is a faithful stand-in)
    table = jax.random.normal(k_tab, (NUM_EMBEDDINGS, FEATURES), dtype=jnp.float32)
    return {"x": x, "table": table}


def reference(x, table):
    # nn.Embed(num_embeddings=2, features=64)(x) == table[x] (gather on axis 0)
    return jnp.take(table, x, axis=0)

if __name__ == "__main__":
    import jax
    _d = setup_inputs()
    print(jax.jit(kernel)(*tuple(_d.values())))

</pallas_src>

<mosaic_0001>
#map = affine_map<(d0, d1) -> (0)>
#map1 = affine_map<(d0, d1) -> (0, 0)>
#map2 = affine_map<(d0, d1) -> (0, 0, 0)>
module attributes {stable_mosaic.version = 14 : i64} {
  func.func @_body(%arg0: i32, %arg1: i32, %arg2: memref<3276800xi32, #tpu.memory_space<hbm>>, %arg3: memref<2x64xf32, #tpu.memory_space<hbm>>, %arg4: memref<16384x200x64xf32, #tpu.memory_space<hbm>>, %arg5: memref<800xi32, #tpu.memory_space<vmem>>, %arg6: memref<2x64xf32, #tpu.memory_space<vmem>>, %arg7: memref<2x400x64xf32, #tpu.memory_space<vmem>>, %arg8: memref<!tpu.dma_semaphore, #tpu.memory_space<semaphore_mem>>, %arg9: memref<4x!tpu.dma_semaphore, #tpu.memory_space<semaphore_mem>>) attributes {dimension_semantics = [#tpu.dimension_semantics<core_parallel>, #tpu.dimension_semantics<subcore_parallel>], iteration_bounds = array<i64: 2, 16>, scalar_prefetch = 0 : i64, scratch_operands = 5 : i64, tpu.core_type = #tpu.core_type<sc_vector_subcore>, window_params = [{transform_indices = #map}, {transform_indices = #map1}, {transform_indices = #map2}]} {
    %mul3A = arith.constant 16 : i32
    %mul3A_0 = arith.muli %arg0, %mul3A : i32
    %add3A = arith.addi %mul3A_0, %arg1 : i32
    "tpu.region"() ({
      %run_scoped3A = tpu.sem_alloc : memref<!tpu.dma_semaphore, #tpu.memory_space<semaphore_mem>>
      tpu.enqueue_dma source(%arg3 : memref<2x64xf32, #tpu.memory_space<hbm>>) target(%arg6 : memref<2x64xf32, #tpu.memory_space<vmem>>) target_semaphore(%run_scoped3A : memref<!tpu.dma_semaphore, #tpu.memory_space<semaphore_mem>>)
      tpu.wait_dma2 semaphore(%run_scoped3A : memref<!tpu.dma_semaphore, #tpu.memory_space<semaphore_mem>>) src(%arg3 : memref<2x64xf32, #tpu.memory_space<hbm>>) dst(%arg6 : memref<2x64xf32, #tpu.memory_space<vmem>>)
      tpu.yield
    }) : () -> ()
    %get3A = arith.constant 0 : i32
    %get3A_1 = arith.index_cast %get3A : i32 to index
    %get3A_2 = arith.constant 0 : index
    %get3A_3 = tpu.vector_load %arg6[%get3A_1, %get3A_2] {strides = array<i32>} : memref<2x64xf32, #tpu.memory_space<vmem>>, vector<16xf32>,
    %get3A_4 = arith.constant 0 : i32
    %get3A_5 = arith.index_cast %get3A_4 : i32 to index
    %get3A_6 = arith.constant 16 : index
    %get3A_7 = tpu.vector_load %arg6[%get3A_5, %get3A_6] {strides = array<i32>} : memref<2x64xf32, #tpu.memory_space<vmem>>, vector<16xf32>,
    %get3A_8 = arith.constant 0 : i32
    %get3A_9 = arith.index_cast %get3A_8 : i32 to index
    %get3A_10 = arith.constant 32 : index
    %get3A_11 = tpu.vector_load %arg6[%get3A_9, %get3A_10] {strides = array<i32>} : memref<2x64xf32, #tpu.memory_space<vmem>>, vector<16xf32>,
    %get3A_12 = arith.constant 0 : i32
    %get3A_13 = arith.index_cast %get3A_12 : i32 to index
    %get3A_14 = arith.constant 48 : index
    %get3A_15 = tpu.vector_load %arg6[%get3A_13, %get3A_14] {strides = array<i32>} : memref<2x64xf32, #tpu.memory_space<vmem>>, vector<16xf32>,
    %get3A_16 = arith.constant 1 : i32
    %get3A_17 = arith.index_cast %get3A_16 : i32 to index
    %get3A_18 = arith.constant 0 : index
    %get3A_19 = tpu.vector_load %arg6[%get3A_17, %get3A_18] {strides = array<i32>} : memref<2x64xf32, #tpu.memory_space<vmem>>, vector<16xf32>,
    %get3A_20 = arith.constant 1 : i32
    %get3A_21 = arith.index_cast %get3A_20 : i32 to index
    %get3A_22 = arith.constant 16 : index
    %get3A_23 = tpu.vector_load %arg6[%get3A_21, %get3A_22] {strides = array<i32>} : memref<2x64xf32, #tpu.memory_space<vmem>>, vector<16xf32>,
    %get3A_24 = arith.constant 1 : i32
    %get3A_25 = arith.index_cast %get3A_24 : i32 to index
    %get3A_26 = arith.constant 32 : index
    %get3A_27 = tpu.vector_load %arg6[%get3A_25, %get3A_26] {strides = array<i32>} : memref<2x64xf32, #tpu.memory_space<vmem>>, vector<16xf32>,
    %get3A_28 = arith.constant 1 : i32
    %get3A_29 = arith.index_cast %get3A_28 : i32 to index
    %get3A_30 = arith.constant 48 : index
    %get3A_31 = tpu.vector_load %arg6[%get3A_29, %get3A_30] {strides = array<i32>} : memref<2x64xf32, #tpu.memory_space<vmem>>, vector<16xf32>,
    %sub3A = arith.subf %get3A_19, %get3A_3 : vector<16xf32>
    %sub3A_32 = arith.subf %get3A_23, %get3A_7 : vector<16xf32>
    %sub3A_33 = arith.subf %get3A_27, %get3A_11 : vector<16xf32>
    %sub3A_34 = arith.subf %get3A_31, %get3A_15 : vector<16xf32>
    %mul3A_35 = arith.constant 512 : i32
    %mul3A_36 = arith.muli %add3A, %mul3A_35 : i32
    %add3A_37 = arith.constant 0 : i32
    %add3A_38 = arith.addi %mul3A_36, %add3A_37 : i32
    %mul3A_39 = arith.constant 200 : i32
    %mul3A_40 = arith.muli %add3A_38, %mul3A_39 : i32
    %dma_start3A = arith.constant 0 : i32
    %dma_start3A_41 = tpu.memref_slice %arg5[%dma_start3A] : memref<800xi32, #tpu.memory_space<vmem>> -> memref<400xi32, #tpu.memory_space<vmem>>
    %dma_start3A_42 = tpu.memref_slice %arg2[%mul3A_40] : memref<3276800xi32, #tpu.memory_space<hbm>> -> memref<400xi32, #tpu.memory_space<hbm>>
    %dma_start3A_43 = arith.constant 0 : i32
    %dma_start3A_44 = tpu.memref_slice %arg5[%dma_start3A_43] : memref<800xi32, #tpu.memory_space<vmem>> -> memref<400xi32, #tpu.memory_space<vmem>>
    %dma_start3A_45 = tpu.memref_slice %arg2[%mul3A_40] : memref<3276800xi32, #tpu.memory_space<hbm>> -> memref<400xi32, #tpu.memory_space<hbm>>
    tpu.enqueue_dma source(%dma_start3A_45 : memref<400xi32, #tpu.memory_space<hbm>>) target(%dma_start3A_44 : memref<400xi32, #tpu.memory_space<vmem>>) target_semaphore(%arg8 : memref<!tpu.dma_semaphore, #tpu.memory_space<semaphore_mem>>)
    %scan3A = arith.constant 0 : i32
    %scan3A_46 = arith.constant 0 : i32
    %scan3A_47 = arith.constant 256 : i32
    %scan3A_48 = arith.addi %scan3A_46, %scan3A_47 : i32
    %scan3A_49 = arith.constant 1 : i32
    scf.for %scan3A_173 = %scan3A_46 to %scan3A_48 step %scan3A_49  : i32 {
      %rem3A_174 = arith.constant 2 : i32
      %rem3A_175 = arith.remsi %scan3A_173, %rem3A_174 : i32
      %rem3A_176 = arith.constant 2 : i32
      %rem3A_177 = arith.remsi %scan3A_173, %rem3A_176 : i32
      %mul3A_178 = arith.constant 512 : i32
      %mul3A_179 = arith.muli %add3A, %mul3A_178 : i32
      %mul3A_180 = arith.constant 2 : i32
      %mul3A_181 = arith.muli %scan3A_173, %mul3A_180 : i32
      %add3A_182 = arith.addi %mul3A_179, %mul3A_181 : i32
      %mul3A_183 = arith.constant 200 : i32
      %mul3A_184 = arith.muli %add3A_182, %mul3A_183 : i32
      %mul3A_185 = arith.constant 400 : i32
      %mul3A_186 = arith.muli %rem3A_175, %mul3A_185 : i32
      %dma_wait3A_187 = tpu.memref_slice %arg5[%mul3A_186] : memref<800xi32, #tpu.memory_space<vmem>> -> memref<400xi32, #tpu.memory_space<vmem>>
      %dma_wait3A_188 = tpu.memref_slice %arg2[%mul3A_184] : memref<3276800xi32, #tpu.memory_space<hbm>> -> memref<400xi32, #tpu.memory_space<hbm>>
      %dma_wait3A_189 = tpu.memref_slice %arg5[%mul3A_186] : memref<800xi32, #tpu.memory_space<vmem>> -> memref<400xi32, #tpu.memory_space<vmem>>
      %dma_wait3A_190 = tpu.memref_slice %arg2[%mul3A_184] : memref<3276800xi32, #tpu.memory_space<hbm>> -> memref<400xi32, #tpu.memory_space<hbm>>
      tpu.wait_dma2 semaphore(%arg8 : memref<!tpu.dma_semaphore, #tpu.memory_space<semaphore_mem>>) src(%dma_wait3A_190 : memref<400xi32, #tpu.memory_space<hbm>>) dst(%dma_wait3A_189 : memref<400xi32, #tpu.memory_space<vmem>>)
      %add3A_191 = arith.constant 1 : i32
      %add3A_192 = arith.addi %scan3A_173, %add3A_191 : i32
      %lt3A = arith.constant 256 : i32
      %lt3A_193 = arith.cmpi slt, %add3A_192, %lt3A : i32
      %convert_element_type3A = arith.extui %lt3A_193 : i1 to i32
      %cond3A = arith.constant 0 : i32
      %cond3A_194 = arith.cmpi ne, %convert_element_type3A, %cond3A : i32
      scf.if %cond3A_194 {
        %add3A_267 = arith.constant 1 : i32
        %add3A_268 = arith.addi %scan3A_173, %add3A_267 : i32
        %sub3A_269 = arith.constant 1 : i32
        %sub3A_270 = arith.subi %sub3A_269, %rem3A_175 : i32
        %mul3A_271 = arith.constant 512 : i32
        %mul3A_272 = arith.muli %add3A, %mul3A_271 : i32
        %mul3A_273 = arith.constant 2 : i32
        %mul3A_274 = arith.muli %add3A_268, %mul3A_273 : i32
        %add3A_275 = arith.addi %mul3A_272, %mul3A_274 : i32
        %mul3A_276 = arith.constant 200 : i32
        %mul3A_277 = arith.muli %add3A_275, %mul3A_276 : i32
        %mul3A_278 = arith.constant 400 : i32
        %mul3A_279 = arith.muli %sub3A_270, %mul3A_278 : i32
        %dma_start3A_280 = tpu.memref_slice %arg5[%mul3A_279] : memref<800xi32, #tpu.memory_space<vmem>> -> memref<400xi32, #tpu.memory_space<vmem>>
        %dma_start3A_281 = tpu.memref_slice %arg2[%mul3A_277] : memref<3276800xi32, #tpu.memory_space<hbm>> -> memref<400xi32, #tpu.memory_space<hbm>>
        %dma_start3A_282 = tpu.memref_slice %arg5[%mul3A_279] : memref<800xi32, #tpu.memory_space<vmem>> -> memref<400xi32, #tpu.memory_space<vmem>>
        %dma_start3A_283 = tpu.memref_slice %arg2[%mul3A_277] : memref<3276800xi32, #tpu.memory_space<hbm>> -> memref<400xi32, #tpu.memory_space<hbm>>
        tpu.enqueue_dma source(%dma_start3A_283 : memref<400xi32, #tpu.memory_space<hbm>>) target(%dma_start3A_282 : memref<400xi32, #tpu.memory_space<vmem>>) target_semaphore(%arg8 : memref<!tpu.dma_semaphore, #tpu.memory_space<semaphore_mem>>)
      } else {
      }
      %ge3A = arith.constant 2 : i32
      %ge3A_195 = arith.cmpi sge, %scan3A_173, %ge3A : i32
      %convert_element_type3A_196 = arith.extui %ge3A_195 : i1 to i32
      %cond3A_197 = arith.constant 0 : i32
      %cond3A_198 = arith.cmpi ne, %convert_element_type3A_196, %cond3A_197 : i32
      scf.if %cond3A_198 {
        %sub3A_267 = arith.constant 2 : i32
        %sub3A_268 = arith.subi %scan3A_173, %sub3A_267 : i32
        %rem3A_269 = arith.constant 2 : i32
        %rem3A_270 = arith.remsi %sub3A_268, %rem3A_269 : i32
        %mul3A_271 = arith.constant 512 : i32
        %mul3A_272 = arith.muli %add3A, %mul3A_271 : i32
        %mul3A_273 = arith.constant 2 : i32
        %mul3A_274 = arith.muli %sub3A_268, %mul3A_273 : i32
        %add3A_275 = arith.addi %mul3A_272, %mul3A_274 : i32
        %add3A_276 = arith.constant 0 : i32
        %add3A_277 = arith.addi %add3A_275, %add3A_276 : i32
        %mul3A_278 = arith.constant 2 : i32
        %mul3A_279 = arith.muli %rem3A_270, %mul3A_278 : i32
        %add3A_280 = arith.constant 0 : i32
        %add3A_281 = arith.addi %mul3A_279, %add3A_280 : i32
        %dma_wait3A_282 = arith.constant 0 : i32
        %dma_wait3A_283 = arith.constant 0 : i32
        %dma_wait3A_284 = tpu.memref_slice %arg7[%rem3A_270, %dma_wait3A_282, %dma_wait3A_283] : memref<2x400x64xf32, #tpu.memory_space<vmem>> -> memref<1x200x64xf32, #tpu.memory_space<vmem>>
        %dma_wait3A_285 = tpu.memref_squeeze %dma_wait3A_284 : memref<1x200x64xf32, #tpu.memory_space<vmem>> -> memref<200x64xf32, #tpu.memory_space<vmem>>
        %dma_wait3A_286 = arith.constant 0 : i32
        %dma_wait3A_287 = arith.constant 0 : i32
        %dma_wait3A_288 = tpu.memref_slice %arg4[%add3A_277, %dma_wait3A_286, %dma_wait3A_287] : memref<16384x200x64xf32, #tpu.memory_space<hbm>> -> memref<1x200x64xf32, #tpu.memory_space<hbm>>
        %dma_wait3A_289 = tpu.memref_squeeze %dma_wait3A_288 : memref<1x200x64xf32, #tpu.memory_space<hbm>> -> memref<200x64xf32, #tpu.memory_space<hbm>>
        %dma_wait3A_290 = tpu.memref_slice %arg9[%add3A_281] : memref<4x!tpu.dma_semaphore, #tpu.memory_space<semaphore_mem>> -> memref<1x!tpu.dma_semaphore, #tpu.memory_space<semaphore_mem>>
        %dma_wait3A_291 = tpu.memref_squeeze %dma_wait3A_290 : memref<1x!tpu.dma_semaphore, #tpu.memory_space<semaphore_mem>> -> memref<!tpu.dma_semaphore, #tpu.memory_space<semaphore_mem>>
        %dma_wait3A_292 = arith.constant 0 : i32
        %dma_wait3A_293 = arith.constant 0 : i32
        %dma_wait3A_294 = tpu.memref_slice %arg4[%add3A_277, %dma_wait3A_292, %dma_wait3A_293] : memref<16384x200x64xf32, #tpu.memory_space<hbm>> -> memref<1x200x64xf32, #tpu.memory_space<hbm>>
        %dma_wait3A_295 = tpu.memref_squeeze %dma_wait3A_294 : memref<1x200x64xf32, #tpu.memory_space<hbm>> -> memref<200x64xf32, #tpu.memory_space<hbm>>
        %dma_wait3A_296 = arith.constant 0 : i32
        %dma_wait3A_297 = arith.constant 0 : i32
        %dma_wait3A_298 = tpu.memref_slice %arg7[%rem3A_270, %dma_wait3A_296, %dma_wait3A_297] : memref<2x400x64xf32, #tpu.memory_space<vmem>> -> memref<1x200x64xf32, #tpu.memory_space<vmem>>
        %dma_wait3A_299 = tpu.memref_squeeze %dma_wait3A_298 : memref<1x200x64xf32, #tpu.memory_space<vmem>> -> memref<200x64xf32, #tpu.memory_space<vmem>>
        tpu.wait_dma2 semaphore(%dma_wait3A_291 : memref<!tpu.dma_semaphore, #tpu.memory_space<semaphore_mem>>) src(%dma_wait3A_299 : memref<200x64xf32, #tpu.memory_space<vmem>>) dst(%dma_wait3A_295 : memref<200x64xf32, #tpu.memory_space<hbm>>)
        %sub3A_300 = arith.constant 2 : i32
        %sub3A_301 = arith.subi %scan3A_173, %sub3A_300 : i32
        %rem3A_302 = arith.constant 2 : i32
        %rem3A_303 = arith.remsi %sub3A_301, %rem3A_302 : i32
        %mul3A_304 = arith.constant 512 : i32
        %mul3A_305 = arith.muli %add3A, %mul3A_304 : i32
        %mul3A_306 = arith.constant 2 : i32
        %mul3A_307 = arith.muli %sub3A_301, %mul3A_306 : i32
        %add3A_308 = arith.addi %mul3A_305, %mul3A_307 : i32
        %add3A_309 = arith.constant 1 : i32
        %add3A_310 = arith.addi %add3A_308, %add3A_309 : i32
        %mul3A_311 = arith.constant 2 : i32
        %mul3A_312 = arith.muli %rem3A_303, %mul3A_311 : i32
        %add3A_313 = arith.constant 1 : i32
        %add3A_314 = arith.addi %mul3A_312, %add3A_313 : i32
        %dma_wait3A_315 = arith.constant 200 : i32
        %dma_wait3A_316 = arith.constant 0 : i32
        %dma_wait3A_317 = tpu.memref_slice %arg7[%rem3A_303, %dma_wait3A_315, %dma_wait3A_316] : memref<2x400x64xf32, #tpu.memory_space<vmem>> -> memref<1x200x64xf32, #tpu.memory_space<vmem>>
        %dma_wait3A_318 = tpu.memref_squeeze %dma_wait3A_317 : memref<1x200x64xf32, #tpu.memory_space<vmem>> -> memref<200x64xf32, #tpu.memory_space<vmem>>
        %dma_wait3A_319 = arith.constant 0 : i32
        %dma_wait3A_320 = arith.constant 0 : i32
        %dma_wait3A_321 = tpu.memref_slice %arg4[%add3A_310, %dma_wait3A_319, %dma_wait3A_320] : memref<16384x200x64xf32, #tpu.memory_space<hbm>> -> memref<1x200x64xf32, #tpu.memory_space<hbm>>
        %dma_wait3A_322 = tpu.memref_squeeze %dma_wait3A_321 : memref<1x200x64xf32, #tpu.memory_space<hbm>> -> memref<200x64xf32, #tpu.memory_space<hbm>>
        %dma_wait3A_323 = tpu.memref_slice %arg9[%add3A_314] : memref<4x!tpu.dma_semaphore, #tpu.memory_space<semaphore_mem>> -> memref<1x!tpu.dma_semaphore, #tpu.memory_space<semaphore_mem>>
        %dma_wait3A_324 = tpu.memref_squeeze %dma_wait3A_323 : memref<1x!tpu.dma_semaphore, #tpu.memory_space<semaphore_mem>> -> memref<!tpu.dma_semaphore, #tpu.memory_space<semaphore_mem>>
        %dma_wait3A_325 = arith.constant 0 : i32
        %dma_wait3A_326 = arith.constant 0 : i32
        %dma_wait3A_327 = tpu.memref_slice %arg4[%add3A_310, %dma_wait3A_325, %dma_wait3A_326] : memref<16384x200x64xf32, #tpu.memory_space<hbm>> -> memref<1x200x64xf32, #tpu.memory_space<hbm>>
        %dma_wait3A_328 = tpu.memref_squeeze %dma_wait3A_327 : memref<1x200x64xf32, #tpu.memory_space<hbm>> -> memref<200x64xf32, #tpu.memory_space<hbm>>
        %dma_wait3A_329 = arith.constant 200 : i32
        %dma_wait3A_330 = arith.constant 0 : i32
        %dma_wait3A_331 = tpu.memref_slice %arg7[%rem3A_303, %dma_wait3A_329, %dma_wait3A_330] : memref<2x400x64xf32, #tpu.memory_space<vmem>> -> memref<1x200x64xf32, #tpu.memory_space<vmem>>
        %dma_wait3A_332 = tpu.memref_squeeze %dma_wait3A_331 : memref<1x200x64xf32, #tpu.memory_space<vmem>> -> memref<200x64xf32, #tpu.memory_space<vmem>>
        tpu.wait_dma2 semaphore(%dma_wait3A_324 : memref<!tpu.dma_semaphore, #tpu.memory_space<semaphore_mem>>) src(%dma_wait3A_332 : memref<200x64xf32, #tpu.memory_space<vmem>>) dst(%dma_wait3A_328 : memref<200x64xf32, #tpu.memory_space<hbm>>)
      } else {
      }
      %scan3A_199 = arith.constant 0 : i32
      %scan3A_200 = arith.constant 0 : i32
      %scan3A_201 = arith.constant 25 : i32
      %scan3A_202 = arith.addi %scan3A_200, %scan3A_201 : i32
      %scan3A_203 = arith.constant 1 : i32
      scf.for %scan3A_267 = %scan3A_200 to %scan3A_202 step %scan3A_203  : i32 {
        %mul3A_268 = arith.constant 400 : i32
        %mul3A_269 = arith.muli %rem3A_175, %mul3A_268 : i32
        %mul3A_270 = arith.constant 16 : i32
        %mul3A_271 = arith.muli %scan3A_267, %mul3A_270 : i32
        %add3A_272 = arith.addi %mul3A_269, %mul3A_271 : i32
        %get3A_273 = arith.index_cast %add3A_272 : i32 to index
        %get3A_274 = tpu.vector_load %arg5[%get3A_273] {strides = array<i32>} : memref<800xi32, #tpu.memory_space<vmem>>, vector<16xi32>,
        %convert_element_type3A_275 = arith.sitofp %get3A_274 : vector<16xi32> to vector<16xf32>
        %slice3A = vector.extract_strided_slice %convert_element_type3A_275 {offsets = [0], sizes = [1], strides = [1]} : vector<16xf32> to vector<1xf32>
        %squeeze3A = vector.extract %slice3A[0] : f32 from vector<1xf32>
        %broadcast_in_dim3A = vector.broadcast %squeeze3A : f32 to vector<16xf32>
        %mul3A_276 = arith.mulf %broadcast_in_dim3A, %sub3A : vector<16xf32>
        %add3A_277 = arith.addf %get3A_3, %mul3A_276 : vector<16xf32>
        %mul3A_278 = arith.constant 16 : i32
        %mul3A_279 = arith.muli %scan3A_267, %mul3A_278 : i32
        %add3A_280 = arith.constant 0 : i32
        %add3A_281 = arith.addi %mul3A_279, %add3A_280 : i32
        %swap3A = arith.index_cast %rem3A_177 : i32 to index
        %swap3A_282 = arith.index_cast %add3A_281 : i32 to index
        %swap3A_283 = arith.constant 0 : index
        %swap3A_284 = tpu.vector_load %arg7[%swap3A, %swap3A_282, %swap3A_283] {strides = array<i32>} : memref<2x400x64xf32, #tpu.memory_space<vmem>>, vector<16xf32>,
        tpu.vector_store %arg7[%swap3A, %swap3A_282, %swap3A_283], %add3A_277 {strides = array<i32>} : memref<2x400x64xf32, #tpu.memory_space<vmem>>, vector<16xf32>,
        %mul3A_285 = arith.mulf %broadcast_in_dim3A, %sub3A_32 : vector<16xf32>
        %add3A_286 = arith.addf %get3A_7, %mul3A_285 : vector<16xf32>
        %mul3A_287 = arith.constant 16 : i32
        %mul3A_288 = arith.muli %scan3A_267, %mul3A_287 : i32
        %add3A_289 = arith.constant 0 : i32
        %add3A_290 = arith.addi %mul3A_288, %add3A_289 : i32
        %swap3A_291 = arith.index_cast %rem3A_177 : i32 to index
        %swap3A_292 = arith.index_cast %add3A_290 : i32 to index
        %swap3A_293 = arith.constant 16 : index
        %swap3A_294 = tpu.vector_load %arg7[%swap3A_291, %swap3A_292, %swap3A_293] {strides = array<i32>} : memref<2x400x64xf32, #tpu.memory_space<vmem>>, vector<16xf32>,
        tpu.vector_store %arg7[%swap3A_291, %swap3A_292, %swap3A_293], %add3A_286 {strides = array<i32>} : memref<2x400x64xf32, #tpu.memory_space<vmem>>, vector<16xf32>,
        %mul3A_295 = arith.mulf %broadcast_in_dim3A, %sub3A_33 : vector<16xf32>
        %add3A_296 = arith.addf %get3A_11, %mul3A_295 : vector<16xf32>
        %mul3A_297 = arith.constant 16 : i32
        %mul3A_298 = arith.muli %scan3A_267, %mul3A_297 : i32
        %add3A_299 = arith.constant 0 : i32
        %add3A_300 = arith.addi %mul3A_298, %add3A_299 : i32
        %swap3A_301 = arith.index_cast %rem3A_177 : i32 to index
        %swap3A_302 = arith.index_cast %add3A_300 : i32 to index
        %swap3A_303 = arith.constant 32 : index
        %swap3A_304 = tpu.vector_load %arg7[%swap3A_301, %swap3A_302, %swap3A_303] {strides = array<i32>} : memref<2x400x64xf32, #tpu.memory_space<vmem>>, vector<16xf32>,
        tpu.vector_store %arg7[%swap3A_301, %swap3A_302, %swap3A_303], %add3A_296 {strides = array<i32>} : memref<2x400x64xf32, #tpu.memory_space<vmem>>, vector<16xf32>,
        %mul3A_305 = arith.mulf %broadcast_in_dim3A, %sub3A_34 : vector<16xf32>
        %add3A_306 = arith.addf %get3A_15, %mul3A_305 : vector<16xf32>
        %mul3A_307 = arith.constant 16 : i32
        %mul3A_308 = arith.muli %scan3A_267, %mul3A_307 : i32
        %add3A_309 = arith.constant 0 : i32
        %add3A_310 = arith.addi %mul3A_308, %add3A_309 : i32
        %swap3A_311 = arith.index_cast %rem3A_177 : i32 to index
        %swap3A_312 = arith.index_cast %add3A_310 : i32 to index
        %swap3A_313 = arith.constant 48 : index
        %swap3A_314 = tpu.vector_load %arg7[%swap3A_311, %swap3A_312, %swap3A_313] {strides = array<i32>} : memref<2x400x64xf32, #tpu.memory_space<vmem>>, vector<16xf32>,
        tpu.vector_store %arg7[%swap3A_311, %swap3A_312, %swap3A_313], %add3A_306 {strides = array<i32>} : memref<2x400x64xf32, #tpu.memory_space<vmem>>, vector<16xf32>,
        %slice3A_315 = vector.extract_strided_slice %convert_element_type3A_275 {offsets = [1], sizes = [1], strides = [1]} : vector<16xf32> to vector<1xf32>
        %squeeze3A_316 = vector.extract %slice3A_315[0] : f32 from vector<1xf32>
        %broadcast_in_dim3A_317 = vector.broadcast %squeeze3A_316 : f32 to vector<16xf32>
        %mul3A_318 = arith.mulf %broadcast_in_dim3A_317, %sub3A : vector<16xf32>
        %add3A_319 = arith.addf %get3A_3, %mul3A_318 : vector<16xf32>
        %mul3A_320 = arith.constant 16 : i32
        %mul3A_321 = arith.muli %scan3A_267, %mul3A_320 : i32
        %add3A_322 = arith.constant 1 : i32
        %add3A_323 = arith.addi %mul3A_321, %add3A_322 : i32
        %swap3A_324 = arith.index_cast %rem3A_177 : i32 to index
        %swap3A_325 = arith.index_cast %add3A_323 : i32 to index
        %swap3A_326 = arith.constant 0 : index
        %swap3A_327 = tpu.vector_load %arg7[%swap3A_324, %swap3A_325, %swap3A_326] {strides = array<i32>} : memref<2x400x64xf32, #tpu.memory_space<vmem>>, vector<16xf32>,
        tpu.vector_store %arg7[%swap3A_324, %swap3A_325, %swap3A_326], %add3A_319 {strides = array<i32>} : memref<2x400x64xf32, #tpu.memory_space<vmem>>, vector<16xf32>,
        %mul3A_328 = arith.mulf %broadcast_in_dim3A_317, %sub3A_32 : vector<16xf32>
        %add3A_329 = arith.addf %get3A_7, %mul3A_328 : vector<16xf32>
        %mul3A_330 = arith.constant 16 : i32
        %mul3A_331 = arith.muli %scan3A_267, %mul3A_330 : i32
        %add3A_332 = arith.constant 1 : i32
        %add3A_333 = arith.addi %mul3A_331, %add3A_332 : i32
        %swap3A_334 = arith.index_cast %rem3A_177 : i32 to index
        %swap3A_335 = arith.index_cast %add3A_333 : i32 to index
        %swap3A_336 = arith.constant 16 : index
        %swap3A_337 = tpu.vector_load %arg7[%swap3A_334, %swap3A_335, %swap3A_336] {strides = array<i32>} : memref<2x400x64xf32, #tpu.memory_space<vmem>>, vector<16xf32>,
        tpu.vector_store %arg7[%swap3A_334, %swap3A_335, %swap3A_336], %add3A_329 {strides = array<i32>} : memref<2x400x64xf32, #tpu.memory_space<vmem>>, vector<16xf32>,
        %mul3A_338 = arith.mulf %broadcast_in_dim3A_317, %sub3A_33 : vector<16xf32>
        %add3A_339 = arith.addf %get3A_11, %mul3A_338 : vector<16xf32>
        %mul3A_340 = arith.constant 16 : i32
        %mul3A_341 = arith.muli %scan3A_267, %mul3A_340 : i32
        %add3A_342 = arith.constant 1 : i32
        %add3A_343 = arith.addi %mul3A_341, %add3A_342 : i32
        %swap3A_344 = arith.index_cast %rem3A_177 : i32 to index
        %swap3A_345 = arith.index_cast %add3A_343 : i32 to index
        %swap3A_346 = arith.constant 32 : index
        %swap3A_347 = tpu.vector_load %arg7[%swap3A_344, %swap3A_345, %swap3A_346] {strides = array<i32>} : memref<2x400x64xf32, #tpu.memory_space<vmem>>, vector<16xf32>,
        tpu.vector_store %arg7[%swap3A_344, %swap3A_345, %swap3A_346], %add3A_339 {strides = array<i32>} : memref<2x400x64xf32, #tpu.memory_space<vmem>>, vector<16xf32>,
        %mul3A_348 = arith.mulf %broadcast_in_dim3A_317, %sub3A_34 : vector<16xf32>
        %add3A_349 = arith.addf %get3A_15, %mul3A_348 : vector<16xf32>
        %mul3A_350 = arith.constant 16 : i32
        %mul3A_351 = arith.muli %scan3A_267, %mul3A_350 : i32
        %add3A_352 = arith.constant 1 : i32
        %add3A_353 = arith.addi %mul3A_351, %add3A_352 : i32
        %swap3A_354 = arith.index_cast %rem3A_177 : i32 to index
        %swap3A_355 = arith.index_cast %add3A_353 : i32 to index
        %swap3A_356 = arith.constant 48 : index
        %swap3A_357 = tpu.vector_load %arg7[%swap3A_354, %swap3A_355, %swap3A_356] {strides = array<i32>} : memref<2x400x64xf32, #tpu.memory_space<vmem>>, vector<16xf32>,
        tpu.vector_store %arg7[%swap3A_354, %swap3A_355, %swap3A_356], %add3A_349 {strides = array<i32>} : memref<2x400x64xf32, #tpu.memory_space<vmem>>, vector<16xf32>,
        %slice3A_358 = vector.extract_strided_slice %convert_element_type3A_275 {offsets = [2], sizes = [1], strides = [1]} : vector<16xf32> to vector<1xf32>
        %squeeze3A_359 = vector.extract %slice3A_358[0] : f32 from vector<1xf32>
        %broadcast_in_dim3A_360 = vector.broadcast %squeeze3A_359 : f32 to vector<16xf32>
        %mul3A_361 = arith.mulf %broadcast_in_dim3A_360, %sub3A : vector<16xf32>
        %add3A_362 = arith.addf %get3A_3, %mul3A_361 : vector<16xf32>
        %mul3A_363 = arith.constant 16 : i32
        %mul3A_364 = arith.muli %scan3A_267, %mul3A_363 : i32
        %add3A_365 = arith.constant 2 : i32
        %add3A_366 = arith.addi %mul3A_364, %add3A_365 : i32
        %swap3A_367 = arith.index_cast %rem3A_177 : i32 to index
        %swap3A_368 = arith.index_cast %add3A_366 : i32 to index
        %swap3A_369 = arith.constant 0 : index
        %swap3A_370 = tpu.vector_load %arg7[%swap3A_367, %swap3A_368, %swap3A_369] {strides = array<i32>} : memref<2x400x64xf32, #tpu.memory_space<vmem>>, vector<16xf32>,
        tpu.vector_store %arg7[%swap3A_367, %swap3A_368, %swap3A_369], %add3A_362 {strides = array<i32>} : memref<2x400x64xf32, #tpu.memory_space<vmem>>, vector<16xf32>,
        %mul3A_371 = arith.mulf %broadcast_in_dim3A_360, %sub3A_32 : vector<16xf32>
        %add3A_372 = arith.addf %get3A_7, %mul3A_371 : vector<16xf32>
        %mul3A_373 = arith.constant 16 : i32
        %mul3A_374 = arith.muli %scan3A_267, %mul3A_373 : i32
        %add3A_375 = arith.constant 2 : i32
        %add3A_376 = arith.addi %mul3A_374, %add3A_375 : i32
        %swap3A_377 = arith.index_cast %rem3A_177 : i32 to index
        %swap3A_378 = arith.index_cast %add3A_376 : i32 to index
        %swap3A_379 = arith.constant 16 : index
        %swap3A_380 = tpu.vector_load %arg7[%swap3A_377, %swap3A_378, %swap3A_379] {strides = array<i32>} : memref<2x400x64xf32, #tpu.memory_space<vmem>>, vector<16xf32>,
        tpu.vector_store %arg7[%swap3A_377, %swap3A_378, %swap3A_379], %add3A_372 {strides = array<i32>} : memref<2x400x64xf32, #tpu.memory_space<vmem>>, vector<16xf32>,
        %mul3A_381 = arith.mulf %broadcast_in_dim3A_360, %sub3A_33 : vector<16xf32>
        %add3A_382 = arith.addf %get3A_11, %mul3A_381 : vector<16xf32>
        %mul3A_383 = arith.constant 16 : i32
        %mul3A_384 = arith.muli %scan3A_267, %mul3A_383 : i32
        %add3A_385 = arith.constant 2 : i32
        %add3A_386 = arith.addi %mul3A_384, %add3A_385 : i32
        %swap3A_387 = arith.index_cast %rem3A_177 : i32 to index
        %swap3A_388 = arith.index_cast %add3A_386 : i32 to index
        %swap3A_389 = arith.constant 32 : index
        %swap3A_390 = tpu.vector_load %arg7[%swap3A_387, %swap3A_388, %swap3A_389] {strides = array<i32>} : memref<2x400x64xf32, #tpu.memory_space<vmem>>, vector<16xf32>,
        tpu.vector_store %arg7[%swap3A_387, %swap3A_388, %swap3A_389], %add3A_382 {strides = array<i32>} : memref<2x400x64xf32, #tpu.memory_space<vmem>>, vector<16xf32>,
        %mul3A_391 = arith.mulf %broadcast_in_dim3A_360, %sub3A_34 : vector<16xf32>
        %add3A_392 = arith.addf %get3A_15, %mul3A_391 : vector<16xf32>
        %mul3A_393 = arith.constant 16 : i32
        %mul3A_394 = arith.muli %scan3A_267, %mul3A_393 : i32
        %add3A_395 = arith.constant 2 : i32
        %add3A_396 = arith.addi %mul3A_394, %add3A_395 : i32
        %swap3A_397 = arith.index_cast %rem3A_177 : i32 to index
        %swap3A_398 = arith.index_cast %add3A_396 : i32 to index
        %swap3A_399 = arith.constant 48 : index
        %swap3A_400 = tpu.vector_load %arg7[%swap3A_397, %swap3A_398, %swap3A_399] {strides = array<i32>} : memref<2x400x64xf32, #tpu.memory_space<vmem>>, vector<16xf32>,
        tpu.vector_store %arg7[%swap3A_397, %swap3A_398, %swap3A_399], %add3A_392 {strides = array<i32>} : memref<2x400x64xf32, #tpu.memory_space<vmem>>, vector<16xf32>,
        %slice3A_401 = vector.extract_strided_slice %convert_element_type3A_275 {offsets = [3], sizes = [1], strides = [1]} : vector<16xf32> to vector<1xf32>
        %squeeze3A_402 = vector.extract %slice3A_401[0] : f32 from vector<1xf32>
        %broadcast_in_dim3A_403 = vector.broadcast %squeeze3A_402 : f32 to vector<16xf32>
        %mul3A_404 = arith.mulf %broadcast_in_dim3A_403, %sub3A : vector<16xf32>
        %add3A_405 = arith.addf %get3A_3, %mul3A_404 : vector<16xf32>
        %mul3A_406 = arith.constant 16 : i32
        %mul3A_407 = arith.muli %scan3A_267, %mul3A_406 : i32
        %add3A_408 = arith.constant 3 : i32
        %add3A_409 = arith.addi %mul3A_407, %add3A_408 : i32
        %swap3A_410 = arith.index_cast %rem3A_177 : i32 to index
        %swap3A_411 = arith.index_cast %add3A_409 : i32 to index
        %swap3A_412 = arith.constant 0 : index
        %swap3A_413 = tpu.vector_load %arg7[%swap3A_410, %swap3A_411, %swap3A_412] {strides = array<i32>} : memref<2x400x64xf32, #tpu.memory_space<vmem>>, vector<16xf32>,
        tpu.vector_store %arg7[%swap3A_410, %swap3A_411, %swap3A_412], %add3A_405 {strides = array<i32>} : memref<2x400x64xf32, #tpu.memory_space<vmem>>, vector<16xf32>,
        %mul3A_414 = arith.mulf %broadcast_in_dim3A_403, %sub3A_32 : vector<16xf32>
        %add3A_415 = arith.addf %get3A_7, %mul3A_414 : vector<16xf32>
        %mul3A_416 = arith.constant 16 : i32
        %mul3A_417 = arith.muli %scan3A_267, %mul3A_416 : i32
        %add3A_418 = arith.constant 3 : i32
        %add3A_419 = arith.addi %mul3A_417, %add3A_418 : i32
        %swap3A_420 = arith.index_cast %rem3A_177 : i32 to index
        %swap3A_421 = arith.index_cast %add3A_419 : i32 to index
        %swap3A_422 = arith.constant 16 : index
        %swap3A_423 = tpu.vector_load %arg7[%swap3A_420, %swap3A_421, %swap3A_422] {strides = array<i32>} : memref<2x400x64xf32, #tpu.memory_space<vmem>>, vector<16xf32>,
        tpu.vector_store %arg7[%swap3A_420, %swap3A_421, %swap3A_422], %add3A_415 {strides = array<i32>} : memref<2x400x64xf32, #tpu.memory_space<vmem>>, vector<16xf32>,
        %mul3A_424 = arith.mulf %broadcast_in_dim3A_403, %sub3A_33 : vector<16xf32>
        %add3A_425 = arith.addf %get3A_11, %mul3A_424 : vector<16xf32>
        %mul3A_426 = arith.constant 16 : i32
        %mul3A_427 = arith.muli %scan3A_267, %mul3A_426 : i32
        %add3A_428 = arith.constant 3 : i32
        %add3A_429 = arith.addi %mul3A_427, %add3A_428 : i32
        %swap3A_430 = arith.index_cast %rem3A_177 : i32 to index
        %swap3A_431 = arith.index_cast %add3A_429 : i32 to index
        %swap3A_432 = arith.constant 32 : index
        %swap3A_433 = tpu.vector_load %arg7[%swap3A_430, %swap3A_431, %swap3A_432] {strides = array<i32>} : memref<2x400x64xf32, #tpu.memory_space<vmem>>, vector<16xf32>,
        tpu.vector_store %arg7[%swap3A_430, %swap3A_431, %swap3A_432], %add3A_425 {strides = array<i32>} : memref<2x400x64xf32, #tpu.memory_space<vmem>>, vector<16xf32>,
        %mul3A_434 = arith.mulf %broadcast_in_dim3A_403, %sub3A_34 : vector<16xf32>
        %add3A_435 = arith.addf %get3A_15, %mul3A_434 : vector<16xf32>
        %mul3A_436 = arith.constant 16 : i32
        %mul3A_437 = arith.muli %scan3A_267, %mul3A_436 : i32
        %add3A_438 = arith.constant 3 : i32
        %add3A_439 = arith.addi %mul3A_437, %add3A_438 : i32
        %swap3A_440 = arith.index_cast %rem3A_177 : i32 to index
        %swap3A_441 = arith.index_cast %add3A_439 : i32 to index
        %swap3A_442 = arith.constant 48 : index
        %swap3A_443 = tpu.vector_load %arg7[%swap3A_440, %swap3A_441, %swap3A_442] {strides = array<i32>} : memref<2x400x64xf32, #tpu.memory_space<vmem>>, vector<16xf32>,
        tpu.vector_store %arg7[%swap3A_440, %swap3A_441, %swap3A_442], %add3A_435 {strides = array<i32>} : memref<2x400x64xf32, #tpu.memory_space<vmem>>, vector<16xf32>,
        %slice3A_444 = vector.extract_strided_slice %convert_element_type3A_275 {offsets = [4], sizes = [1], strides = [1]} : vector<16xf32> to vector<1xf32>
        %squeeze3A_445 = vector.extract %slice3A_444[0] : f32 from vector<1xf32>
        %broadcast_in_dim3A_446 = vector.broadcast %squeeze3A_445 : f32 to vector<16xf32>
        %mul3A_447 = arith.mulf %broadcast_in_dim3A_446, %sub3A : vector<16xf32>
        %add3A_448 = arith.addf %get3A_3, %mul3A_447 : vector<16xf32>
        %mul3A_449 = arith.constant 16 : i32
        %mul3A_450 = arith.muli %scan3A_267, %mul3A_449 : i32
        %add3A_451 = arith.constant 4 : i32
        %add3A_452 = arith.addi %mul3A_450, %add3A_451 : i32
        %swap3A_453 = arith.index_cast %rem3A_177 : i32 to index
        %swap3A_454 = arith.index_cast %add3A_452 : i32 to index
        %swap3A_455 = arith.constant 0 : index
        %swap3A_456 = tpu.vector_load %arg7[%swap3A_453, %swap3A_454, %swap3A_455] {strides = array<i32>} : memref<2x400x64xf32, #tpu.memory_space<vmem>>, vector<16xf32>,
        tpu.vector_store %arg7[%swap3A_453, %swap3A_454, %swap3A_455], %add3A_448 {strides = array<i32>} : memref<2x400x64xf32, #tpu.memory_space<vmem>>, vector<16xf32>,
        %mul3A_457 = arith.mulf %broadcast_in_dim3A_446, %sub3A_32 : vector<16xf32>
        %add3A_458 = arith.addf %get3A_7, %mul3A_457 : vector<16xf32>
        %mul3A_459 = arith.constant 16 : i32
        %mul3A_460 = arith.muli %scan3A_267, %mul3A_459 : i32
        %add3A_461 = arith.constant 4 : i32
        %add3A_462 = arith.addi %mul3A_460, %add3A_461 : i32
        %swap3A_463 = arith.index_cast %rem3A_177 : i32 to index
        %swap3A_464 = arith.index_cast %add3A_462 : i32 to index
        %swap3A_465 = arith.constant 16 : index
        %swap3A_466 = tpu.vector_load %arg7[%swap3A_463, %swap3A_464, %swap3A_465] {strides = array<i32>} : memref<2x400x64xf32, #tpu.memory_space<vmem>>, vector<16xf32>,
        tpu.vector_store %arg7[%swap3A_463, %swap3A_464, %swap3A_465], %add3A_458 {strides = array<i32>} : memref<2x400x64xf32, #tpu.memory_space<vmem>>, vector<16xf32>,
        %mul3A_467 = arith.mulf %broadcast_in_dim3A_446, %sub3A_33 : vector<16xf32>
        %add3A_468 = arith.addf %get3A_11, %mul3A_467 : vector<16xf32>
        %mul3A_469 = arith.constant 16 : i32
        %mul3A_470 = arith.muli %scan3A_267, %mul3A_469 : i32
        %add3A_471 = arith.constant 4 : i32
        %add3A_472 = arith.addi %mul3A_470, %add3A_471 : i32
        %swap3A_473 = arith.index_cast %rem3A_177 : i32 to index
        %swap3A_474 = arith.index_cast %add3A_472 : i32 to index
        %swap3A_475 = arith.constant 32 : index
        %swap3A_476 = tpu.vector_load %arg7[%swap3A_473, %swap3A_474, %swap3A_475] {strides = array<i32>} : memref<2x400x64xf32, #tpu.memory_space<vmem>>, vector<16xf32>,
        tpu.vector_store %arg7[%swap3A_473, %swap3A_474, %swap3A_475], %add3A_468 {strides = array<i32>} : memref<2x400x64xf32, #tpu.memory_space<vmem>>, vector<16xf32>,
        %mul3A_477 = arith.mulf %broadcast_in_dim3A_446, %sub3A_34 : vector<16xf32>
        %add3A_478 = arith.addf %get3A_15, %mul3A_477 : vector<16xf32>
        %mul3A_479 = arith.constant 16 : i32
        %mul3A_480 = arith.muli %scan3A_267, %mul3A_479 : i32
        %add3A_481 = arith.constant 4 : i32
        %add3A_482 = arith.addi %mul3A_480, %add3A_481 : i32
        %swap3A_483 = arith.index_cast %rem3A_177 : i32 to index
        %swap3A_484 = arith.index_cast %add3A_482 : i32 to index
        %swap3A_485 = arith.constant 48 : index
        %swap3A_486 = tpu.vector_load %arg7[%swap3A_483, %swap3A_484, %swap3A_485] {strides = array<i32>} : memref<2x400x64xf32, #tpu.memory_space<vmem>>, vector<16xf32>,
        tpu.vector_store %arg7[%swap3A_483, %swap3A_484, %swap3A_485], %add3A_478 {strides = array<i32>} : memref<2x400x64xf32, #tpu.memory_space<vmem>>, vector<16xf32>,
        %slice3A_487 = vector.extract_strided_slice %convert_element_type3A_275 {offsets = [5], sizes = [1], strides = [1]} : vector<16xf32> to vector<1xf32>
        %squeeze3A_488 = vector.extract %slice3A_487[0] : f32 from vector<1xf32>
        %broadcast_in_dim3A_489 = vector.broadcast %squeeze3A_488 : f32 to vector<16xf32>
        %mul3A_490 = arith.mulf %broadcast_in_dim3A_489, %sub3A : vector<16xf32>
        %add3A_491 = arith.addf %get3A_3, %mul3A_490 : vector<16xf32>
        %mul3A_492 = arith.constant 16 : i32
        %mul3A_493 = arith.muli %scan3A_267, %mul3A_492 : i32
        %add3A_494 = arith.constant 5 : i32
        %add3A_495 = arith.addi %mul3A_493, %add3A_494 : i32
        %swap3A_496 = arith.index_cast %rem3A_177 : i32 to index
        %swap3A_497 = arith.index_cast %add3A_495 : i32 to index
        %swap3A_498 = arith.constant 0 : index
        %swap3A_499 = tpu.vector_load %arg7[%swap3A_496, %swap3A_497, %swap3A_498] {strides = array<i32>} : memref<2x400x64xf32, #tpu.memory_space<vmem>>, vector<16xf32>,
        tpu.vector_store %arg7[%swap3A_496, %swap3A_497, %swap3A_498], %add3A_491 {strides = array<i32>} : memref<2x400x64xf32, #tpu.memory_space<vmem>>, vector<16xf32>,
        %mul3A_500 = arith.mulf %broadcast_in_dim3A_489, %sub3A_32 : vector<16xf32>
        %add3A_501 = arith.addf %get3A_7, %mul3A_500 : vector<16xf32>
        %mul3A_502 = arith.constant 16 : i32
        %mul3A_503 = arith.muli %scan3A_267, %mul3A_502 : i32
        %add3A_504 = arith.constant 5 : i32
        %add3A_505 = arith.addi %mul3A_503, %add3A_504 : i32
        %swap3A_506 = arith.index_cast %rem3A_177 : i32 to index
        %swap3A_507 = arith.index_cast %add3A_505 : i32 to index
        %swap3A_508 = arith.constant 16 : index
        %swap3A_509 = tpu.vector_load %arg7[%swap3A_506, %swap3A_507, %swap3A_508] {strides = array<i32>} : memref<2x400x64xf32, #tpu.memory_space<vmem>>, vector<16xf32>,
        tpu.vector_store %arg7[%swap3A_506, %swap3A_507, %swap3A_508], %add3A_501 {strides = array<i32>} : memref<2x400x64xf32, #tpu.memory_space<vmem>>, vector<16xf32>,
        %mul3A_510 = arith.mulf %broadcast_in_dim3A_489, %sub3A_33 : vector<16xf32>
        %add3A_511 = arith.addf %get3A_11, %mul3A_510 : vector<16xf32>
        %mul3A_512 = arith.constant 16 : i32
        %mul3A_513 = arith.muli %scan3A_267, %mul3A_512 : i32
        %add3A_514 = arith.constant 5 : i32
        %add3A_515 = arith.addi %mul3A_513, %add3A_514 : i32
        %swap3A_516 = arith.index_cast %rem3A_177 : i32 to index
        %swap3A_517 = arith.index_cast %add3A_515 : i32 to index
        %swap3A_518 = arith.constant 32 : index
        %swap3A_519 = tpu.vector_load %arg7[%swap3A_516, %swap3A_517, %swap3A_518] {strides = array<i32>} : memref<2x400x64xf32, #tpu.memory_space<vmem>>, vector<16xf32>,
        tpu.vector_store %arg7[%swap3A_516, %swap3A_517, %swap3A_518], %add3A_511 {strides = array<i32>} : memref<2x400x64xf32, #tpu.memory_space<vmem>>, vector<16xf32>,
        %mul3A_520 = arith.mulf %broadcast_in_dim3A_489, %sub3A_34 : vector<16xf32>
        %add3A_521 = arith.addf %get3A_15, %mul3A_520 : vector<16xf32>
        %mul3A_522 = arith.constant 16 : i32
        %mul3A_523 = arith.muli %scan3A_267, %mul3A_522 : i32
        %add3A_524 = arith.constant 5 : i32
        %add3A_525 = arith.addi %mul3A_523, %add3A_524 : i32
        %swap3A_526 = arith.index_cast %rem3A_177 : i32 to index
        %swap3A_527 = arith.index_cast %add3A_525 : i32 to index
        %swap3A_528 = arith.constant 48 : index
        %swap3A_529 = tpu.vector_load %arg7[%swap3A_526, %swap3A_527, %swap3A_528] {strides = array<i32>} : memref<2x400x64xf32, #tpu.memory_space<vmem>>, vector<16xf32>,
        tpu.vector_store %arg7[%swap3A_526, %swap3A_527, %swap3A_528], %add3A_521 {strides = array<i32>} : memref<2x400x64xf32, #tpu.memory_space<vmem>>, vector<16xf32>,
        %slice3A_530 = vector.extract_strided_slice %convert_element_type3A_275 {offsets = [6], sizes = [1], strides = [1]} : vector<16xf32> to vector<1xf32>
        %squeeze3A_531 = vector.extract %slice3A_530[0] : f32 from vector<1xf32>
        %broadcast_in_dim3A_532 = vector.broadcast %squeeze3A_531 : f32 to vector<16xf32>
        %mul3A_533 = arith.mulf %broadcast_in_dim3A_532, %sub3A : vector<16xf32>
        %add3A_534 = arith.addf %get3A_3, %mul3A_533 : vector<16xf32>
        %mul3A_535 = arith.constant 16 : i32
        %mul3A_536 = arith.muli %scan3A_267, %mul3A_535 : i32
        %add3A_537 = arith.constant 6 : i32
        %add3A_538 = arith.addi %mul3A_536, %add3A_537 : i32
        %swap3A_539 = arith.index_cast %rem3A_177 : i32 to index
        %swap3A_540 = arith.index_cast %add3A_538 : i32 to index
        %swap3A_541 = arith.constant 0 : index
        %swap3A_542 = tpu.vector_load %arg7[%swap3A_539, %swap3A_540, %swap3A_541] {strides = array<i32>} : memref<2x400x64xf32, #tpu.memory_space<vmem>>, vector<16xf32>,
        tpu.vector_store %arg7[%swap3A_539, %swap3A_540, %swap3A_541], %add3A_534 {strides = array<i32>} : memref<2x400x64xf32, #tpu.memory_space<vmem>>, vector<16xf32>,
        %mul3A_543 = arith.mulf %broadcast_in_dim3A_532, %sub3A_32 : vector<16xf32>
        %add3A_544 = arith.addf %get3A_7, %mul3A_543 : vector<16xf32>
        %mul3A_545 = arith.constant 16 : i32
        %mul3A_546 = arith.muli %scan3A_267, %mul3A_545 : i32
        %add3A_547 = arith.constant 6 : i32
        %add3A_548 = arith.addi %mul3A_546, %add3A_547 : i32
        %swap3A_549 = arith.index_cast %rem3A_177 : i32 to index
        %swap3A_550 = arith.index_cast %add3A_548 : i32 to index
        %swap3A_551 = arith.constant 16 : index
        %swap3A_552 = tpu.vector_load %arg7[%swap3A_549, %swap3A_550, %swap3A_551] {strides = array<i32>} : memref<2x400x64xf32, #tpu.memory_space<vmem>>, vector<16xf32>,
        tpu.vector_store %arg7[%swap3A_549, %swap3A_550, %swap3A_551], %add3A_544 {strides = array<i32>} : memref<2x400x64xf32, #tpu.memory_space<vmem>>, vector<16xf32>,
        %mul3A_553 = arith.mulf %broadcast_in_dim3A_532, %sub3A_33 : vector<16xf32>
        %add3A_554 = arith.addf %get3A_11, %mul3A_553 : vector<16xf32>
        %mul3A_555 = arith.constant 16 : i32
        %mul3A_556 = arith.muli %scan3A_267, %mul3A_555 : i32
        %add3A_557 = arith.constant 6 : i32
        %add3A_558 = arith.addi %mul3A_556, %add3A_557 : i32
        %swap3A_559 = arith.index_cast %rem3A_177 : i32 to index
        %swap3A_560 = arith.index_cast %add3A_558 : i32 to index
        %swap3A_561 = arith.constant 32 : index
        %swap3A_562 = tpu.vector_load %arg7[%swap3A_559, %swap3A_560, %swap3A_561] {strides = array<i32>} : memref<2x400x64xf32, #tpu.memory_space<vmem>>, vector<16xf32>,
        tpu.vector_store %arg7[%swap3A_559, %swap3A_560, %swap3A_561], %add3A_554 {strides = array<i32>} : memref<2x400x64xf32, #tpu.memory_space<vmem>>, vector<16xf32>,
        %mul3A_563 = arith.mulf %broadcast_in_dim3A_532, %sub3A_34 : vector<16xf32>
        %add3A_564 = arith.addf %get3A_15, %mul3A_563 : vector<16xf32>
        %mul3A_565 = arith.constant 16 : i32
        %mul3A_566 = arith.muli %scan3A_267, %mul3A_565 : i32
        %add3A_567 = arith.constant 6 : i32
        %add3A_568 = arith.addi %mul3A_566, %add3A_567 : i32
        %swap3A_569 = arith.index_cast %rem3A_177 : i32 to index
        %swap3A_570 = arith.index_cast %add3A_568 : i32 to index
        %swap3A_571 = arith.constant 48 : index
        %swap3A_572 = tpu.vector_load %arg7[%swap3A_569, %swap3A_570, %swap3A_571] {strides = array<i32>} : memref<2x400x64xf32, #tpu.memory_space<vmem>>, vector<16xf32>,
        tpu.vector_store %arg7[%swap3A_569, %swap3A_570, %swap3A_571], %add3A_564 {strides = array<i32>} : memref<2x400x64xf32, #tpu.memory_space<vmem>>, vector<16xf32>,
        %slice3A_573 = vector.extract_strided_slice %convert_element_type3A_275 {offsets = [7], sizes = [1], strides = [1]} : vector<16xf32> to vector<1xf32>
        %squeeze3A_574 = vector.extract %slice3A_573[0] : f32 from vector<1xf32>
        %broadcast_in_dim3A_575 = vector.broadcast %squeeze3A_574 : f32 to vector<16xf32>
        %mul3A_576 = arith.mulf %broadcast_in_dim3A_575, %sub3A : vector<16xf32>
        %add3A_577 = arith.addf %get3A_3, %mul3A_576 : vector<16xf32>
        %mul3A_578 = arith.constant 16 : i32
        %mul3A_579 = arith.muli %scan3A_267, %mul3A_578 : i32
        %add3A_580 = arith.constant 7 : i32
        %add3A_581 = arith.addi %mul3A_579, %add3A_580 : i32
        %swap3A_582 = arith.index_cast %rem3A_177 : i32 to index
        %swap3A_583 = arith.index_cast %add3A_581 : i32 to index
        %swap3A_584 = arith.constant 0 : index
        %swap3A_585 = tpu.vector_load %arg7[%swap3A_582, %swap3A_583, %swap3A_584] {strides = array<i32>} : memref<2x400x64xf32, #tpu.memory_space<vmem>>, vector<16xf32>,
        tpu.vector_store %arg7[%swap3A_582, %swap3A_583, %swap3A_584], %add3A_577 {strides = array<i32>} : memref<2x400x64xf32, #tpu.memory_space<vmem>>, vector<16xf32>,
        %mul3A_586 = arith.mulf %broadcast_in_dim3A_575, %sub3A_32 : vector<16xf32>
        %add3A_587 = arith.addf %get3A_7, %mul3A_586 : vector<16xf32>
        %mul3A_588 = arith.constant 16 : i32
        %mul3A_589 = arith.muli %scan3A_267, %mul3A_588 : i32
        %add3A_590 = arith.constant 7 : i32
        %add3A_591 = arith.addi %mul3A_589, %add3A_590 : i32
        %swap3A_592 = arith.index_cast %rem3A_177 : i32 to index
        %swap3A_593 = arith.index_cast %add3A_591 : i32 to index
        %swap3A_594 = arith.constant 16 : index
        %swap3A_595 = tpu.vector_load %arg7[%swap3A_592, %swap3A_593, %swap3A_594] {strides = array<i32>} : memref<2x400x64xf32, #tpu.memory_space<vmem>>, vector<16xf32>,
        tpu.vector_store %arg7[%swap3A_592, %swap3A_593, %swap3A_594], %add3A_587 {strides = array<i32>} : memref<2x400x64xf32, #tpu.memory_space<vmem>>, vector<16xf32>,
        %mul3A_596 = arith.mulf %broadcast_in_dim3A_575, %sub3A_33 : vector<16xf32>
        %add3A_597 = arith.addf %get3A_11, %mul3A_596 : vector<16xf32>
        %mul3A_598 = arith.constant 16 : i32
        %mul3A_599 = arith.muli %scan3A_267, %mul3A_598 : i32
        %add3A_600 = arith.constant 7 : i32
        %add3A_601 = arith.addi %mul3A_599, %add3A_600 : i32
        %swap3A_602 = arith.index_cast %rem3A_177 : i32 to index
        %swap3A_603 = arith.index_cast %add3A_601 : i32 to index
        %swap3A_604 = arith.constant 32 : index
        %swap3A_605 = tpu.vector_load %arg7[%swap3A_602, %swap3A_603, %swap3A_604] {strides = array<i32>} : memref<2x400x64xf32, #tpu.memory_space<vmem>>, vector<16xf32>,
        tpu.vector_store %arg7[%swap3A_602, %swap3A_603, %swap3A_604], %add3A_597 {strides = array<i32>} : memref<2x400x64xf32, #tpu.memory_space<vmem>>, vector<16xf32>,
        %mul3A_606 = arith.mulf %broadcast_in_dim3A_575, %sub3A_34 : vector<16xf32>
        %add3A_607 = arith.addf %get3A_15, %mul3A_606 : vector<16xf32>
        %mul3A_608 = arith.constant 16 : i32
        %mul3A_609 = arith.muli %scan3A_267, %mul3A_608 : i32
        %add3A_610 = arith.constant 7 : i32
        %add3A_611 = arith.addi %mul3A_609, %add3A_610 : i32
        %swap3A_612 = arith.index_cast %rem3A_177 : i32 to index
        %swap3A_613 = arith.index_cast %add3A_611 : i32 to index
        %swap3A_614 = arith.constant 48 : index
        %swap3A_615 = tpu.vector_load %arg7[%swap3A_612, %swap3A_613, %swap3A_614] {strides = array<i32>} : memref<2x400x64xf32, #tpu.memory_space<vmem>>, vector<16xf32>,
        tpu.vector_store %arg7[%swap3A_612, %swap3A_613, %swap3A_614], %add3A_607 {strides = array<i32>} : memref<2x400x64xf32, #tpu.memory_space<vmem>>, vector<16xf32>,
        %slice3A_616 = vector.extract_strided_slice %convert_element_type3A_275 {offsets = [8], sizes = [1], strides = [1]} : vector<16xf32> to vector<1xf32>
        %squeeze3A_617 = vector.extract %slice3A_616[0] : f32 from vector<1xf32>
        %broadcast_in_dim3A_618 = vector.broadcast %squeeze3A_617 : f32 to vector<16xf32>
        %mul3A_619 = arith.mulf %broadcast_in_dim3A_618, %sub3A : vector<16xf32>
        %add3A_620 = arith.addf %get3A_3, %mul3A_619 : vector<16xf32>
        %mul3A_621 = arith.constant 16 : i32
        %mul3A_622 = arith.muli %scan3A_267, %mul3A_621 : i32
        %add3A_623 = arith.constant 8 : i32
        %add3A_624 = arith.addi %mul3A_622, %add3A_623 : i32
        %swap3A_625 = arith.index_cast %rem3A_177 : i32 to index
        %swap3A_626 = arith.index_cast %add3A_624 : i32 to index
        %swap3A_627 = arith.constant 0 : index
        %swap3A_628 = tpu.vector_load %arg7[%swap3A_625, %swap3A_626, %swap3A_627] {strides = array<i32>} : memref<2x400x64xf32, #tpu.memory_space<vmem>>, vector<16xf32>,
        tpu.vector_store %arg7[%swap3A_625, %swap3A_626, %swap3A_627], %add3A_620 {strides = array<i32>} : memref<2x400x64xf32, #tpu.memory_space<vmem>>, vector<16xf32>,
        %mul3A_629 = arith.mulf %broadcast_in_dim3A_618, %sub3A_32 : vector<16xf32>
        %add3A_630 = arith.addf %get3A_7, %mul3A_629 : vector<16xf32>
        %mul3A_631 = arith.constant 16 : i32
        %mul3A_632 = arith.muli %scan3A_267, %mul3A_631 : i32
        %add3A_633 = arith.constant 8 : i32
        %add3A_634 = arith.addi %mul3A_632, %add3A_633 : i32
        %swap3A_635 = arith.index_cast %rem3A_177 : i32 to index
        %swap3A_636 = arith.index_cast %add3A_634 : i32 to index
        %swap3A_637 = arith.constant 16 : index
        %swap3A_638 = tpu.vector_load %arg7[%swap3A_635, %swap3A_636, %swap3A_637] {strides = array<i32>} : memref<2x400x64xf32, #tpu.memory_space<vmem>>, vector<16xf32>,
        tpu.vector_store %arg7[%swap3A_635, %swap3A_636, %swap3A_637], %add3A_630 {strides = array<i32>} : memref<2x400x64xf32, #tpu.memory_space<vmem>>, vector<16xf32>,
        %mul3A_639 = arith.mulf %broadcast_in_dim3A_618, %sub3A_33 : vector<16xf32>
        %add3A_640 = arith.addf %get3A_11, %mul3A_639 : vector<16xf32>
        %mul3A_641 = arith.constant 16 : i32
        %mul3A_642 = arith.muli %scan3A_267, %mul3A_641 : i32
        %add3A_643 = arith.constant 8 : i32
        %add3A_644 = arith.addi %mul3A_642, %add3A_643 : i32
        %swap3A_645 = arith.index_cast %rem3A_177 : i32 to index
        %swap3A_646 = arith.index_cast %add3A_644 : i32 to index
        %swap3A_647 = arith.constant 32 : index
        %swap3A_648 = tpu.vector_load %arg7[%swap3A_645, %swap3A_646, %swap3A_647] {strides = array<i32>} : memref<2x400x64xf32, #tpu.memory_space<vmem>>, vector<16xf32>,
        tpu.vector_store %arg7[%swap3A_645, %swap3A_646, %swap3A_647], %add3A_640 {strides = array<i32>} : memref<2x400x64xf32, #tpu.memory_space<vmem>>, vector<16xf32>,
        %mul3A_649 = arith.mulf %broadcast_in_dim3A_618, %sub3A_34 : vector<16xf32>
        %add3A_650 = arith.addf %get3A_15, %mul3A_649 : vector<16xf32>
        %mul3A_651 = arith.constant 16 : i32
        %mul3A_652 = arith.muli %scan3A_267, %mul3A_651 : i32
        %add3A_653 = arith.constant 8 : i32
        %add3A_654 = arith.addi %mul3A_652, %add3A_653 : i32
        %swap3A_655 = arith.index_cast %rem3A_177 : i32 to index
        %swap3A_656 = arith.index_cast %add3A_654 : i32 to index
        %swap3A_657 = arith.constant 48 : index
        %swap3A_658 = tpu.vector_load %arg7[%swap3A_655, %swap3A_656, %swap3A_657] {strides = array<i32>} : memref<2x400x64xf32, #tpu.memory_space<vmem>>, vector<16xf32>,
        tpu.vector_store %arg7[%swap3A_655, %swap3A_656, %swap3A_657], %add3A_650 {strides = array<i32>} : memref<2x400x64xf32, #tpu.memory_space<vmem>>, vector<16xf32>,
        %slice3A_659 = vector.extract_strided_slice %convert_element_type3A_275 {offsets = [9], sizes = [1], strides = [1]} : vector<16xf32> to vector<1xf32>
        %squeeze3A_660 = vector.extract %slice3A_659[0] : f32 from vector<1xf32>
        %broadcast_in_dim3A_661 = vector.broadcast %squeeze3A_660 : f32 to vector<16xf32>
        %mul3A_662 = arith.mulf %broadcast_in_dim3A_661, %sub3A : vector<16xf32>
        %add3A_663 = arith.addf %get3A_3, %mul3A_662 : vector<16xf32>
        %mul3A_664 = arith.constant 16 : i32
        %mul3A_665 = arith.muli %scan3A_267, %mul3A_664 : i32
        %add3A_666 = arith.constant 9 : i32
        %add3A_667 = arith.addi %mul3A_665, %add3A_666 : i32
        %swap3A_668 = arith.index_cast %rem3A_177 : i32 to index
        %swap3A_669 = arith.index_cast %add3A_667 : i32 to index
        %swap3A_670 = arith.constant 0 : index
        %swap3A_671 = tpu.vector_load %arg7[%swap3A_668, %swap3A_669, %swap3A_670] {strides = array<i32>} : memref<2x400x64xf32, #tpu.memory_space<vmem>>, vector<16xf32>,
        tpu.vector_store %arg7[%swap3A_668, %swap3A_669, %swap3A_670], %add3A_663 {strides = array<i32>} : memref<2x400x64xf32, #tpu.memory_space<vmem>>, vector<16xf32>,
        %mul3A_672 = arith.mulf %broadcast_in_dim3A_661, %sub3A_32 : vector<16xf32>
        %add3A_673 = arith.addf %get3A_7, %mul3A_672 : vector<16xf32>
        %mul3A_674 = arith.constant 16 : i32
        %mul3A_675 = arith.muli %scan3A_267, %mul3A_674 : i32
        %add3A_676 = arith.constant 9 : i32
        %add3A_677 = arith.addi %mul3A_675, %add3A_676 : i32
        %swap3A_678 = arith.index_cast %rem3A_177 : i32 to index
        %swap3A_679 = arith.index_cast %add3A_677 : i32 to index
        %swap3A_680 = arith.constant 16 : index
        %swap3A_681 = tpu.vector_load %arg7[%swap3A_678, %swap3A_679, %swap3A_680] {strides = array<i32>} : memref<2x400x64xf32, #tpu.memory_space<vmem>>, vector<16xf32>,
        tpu.vector_store %arg7[%swap3A_678, %swap3A_679, %swap3A_680], %add3A_673 {strides = array<i32>} : memref<2x400x64xf32, #tpu.memory_space<vmem>>, vector<16xf32>,
        %mul3A_682 = arith.mulf %broadcast_in_dim3A_661, %sub3A_33 : vector<16xf32>
        %add3A_683 = arith.addf %get3A_11, %mul3A_682 : vector<16xf32>
        %mul3A_684 = arith.constant 16 : i32
        %mul3A_685 = arith.muli %scan3A_267, %mul3A_684 : i32
        %add3A_686 = arith.constant 9 : i32
        %add3A_687 = arith.addi %mul3A_685, %add3A_686 : i32
        %swap3A_688 = arith.index_cast %rem3A_177 : i32 to index
        %swap3A_689 = arith.index_cast %add3A_687 : i32 to index
        %swap3A_690 = arith.constant 32 : index
        %swap3A_691 = tpu.vector_load %arg7[%swap3A_688, %swap3A_689, %swap3A_690] {strides = array<i32>} : memref<2x400x64xf32, #tpu.memory_space<vmem>>, vector<16xf32>,
        tpu.vector_store %arg7[%swap3A_688, %swap3A_689, %swap3A_690], %add3A_683 {strides = array<i32>} : memref<2x400x64xf32, #tpu.memory_space<vmem>>, vector<16xf32>,
        %mul3A_692 = arith.mulf %broadcast_in_dim3A_661, %sub3A_34 : vector<16xf32>
        %add3A_693 = arith.addf %get3A_15, %mul3A_692 : vector<16xf32>
        %mul3A_694 = arith.constant 16 : i32
        %mul3A_695 = arith.muli %scan3A_267, %mul3A_694 : i32
        %add3A_696 = arith.constant 9 : i32
        %add3A_697 = arith.addi %mul3A_695, %add3A_696 : i32
        %swap3A_698 = arith.index_cast %rem3A_177 : i32 to index
        %swap3A_699 = arith.index_cast %add3A_697 : i32 to index
        %swap3A_700 = arith.constant 48 : index
        %swap3A_701 = tpu.vector_load %arg7[%swap3A_698, %swap3A_699, %swap3A_700] {strides = array<i32>} : memref<2x400x64xf32, #tpu.memory_space<vmem>>, vector<16xf32>,
        tpu.vector_store %arg7[%swap3A_698, %swap3A_699, %swap3A_700], %add3A_693 {strides = array<i32>} : memref<2x400x64xf32, #tpu.memory_space<vmem>>, vector<16xf32>,
        %slice3A_702 = vector.extract_strided_slice %convert_element_type3A_275 {offsets = [10], sizes = [1], strides = [1]} : vector<16xf32> to vector<1xf32>
        %squeeze3A_703 = vector.extract %slice3A_702[0] : f32 from vector<1xf32>
        %broadcast_in_dim3A_704 = vector.broadcast %squeeze3A_703 : f32 to vector<16xf32>
        %mul3A_705 = arith.mulf %broadcast_in_dim3A_704, %sub3A : vector<16xf32>
        %add3A_706 = arith.addf %get3A_3, %mul3A_705 : vector<16xf32>
        %mul3A_707 = arith.constant 16 : i32
        %mul3A_708 = arith.muli %scan3A_267, %mul3A_707 : i32
        %add3A_709 = arith.constant 10 : i32
        %add3A_710 = arith.addi %mul3A_708, %add3A_709 : i32
        %swap3A_711 = arith.index_cast %rem3A_177 : i32 to index
        %swap3A_712 = arith.index_cast %add3A_710 : i32 to index
        %swap3A_713 = arith.constant 0 : index
        %swap3A_714 = tpu.vector_load %arg7[%swap3A_711, %swap3A_712, %swap3A_713] {strides = array<i32>} : memref<2x400x64xf32, #tpu.memory_space<vmem>>, vector<16xf32>,
        tpu.vector_store %arg7[%swap3A_711, %swap3A_712, %swap3A_713], %add3A_706 {strides = array<i32>} : memref<2x400x64xf32, #tpu.memory_space<vmem>>, vector<16xf32>,
        %mul3A_715 = arith.mulf %broadcast_in_dim3A_704, %sub3A_32 : vector<16xf32>
        %add3A_716 = arith.addf %get3A_7, %mul3A_715 : vector<16xf32>
        %mul3A_717 = arith.constant 16 : i32
        %mul3A_718 = arith.muli %scan3A_267, %mul3A_717 : i32
        %add3A_719 = arith.constant 10 : i32
        %add3A_720 = arith.addi %mul3A_718, %add3A_719 : i32
        %swap3A_721 = arith.index_cast %rem3A_177 : i32 to index
        %swap3A_722 = arith.index_cast %add3A_720 : i32 to index
        %swap3A_723 = arith.constant 16 : index
        %swap3A_724 = tpu.vector_load %arg7[%swap3A_721, %swap3A_722, %swap3A_723] {strides = array<i32>} : memref<2x400x64xf32, #tpu.memory_space<vmem>>, vector<16xf32>,
        tpu.vector_store %arg7[%swap3A_721, %swap3A_722, %swap3A_723], %add3A_716 {strides = array<i32>} : memref<2x400x64xf32, #tpu.memory_space<vmem>>, vector<16xf32>,
        %mul3A_725 = arith.mulf %broadcast_in_dim3A_704, %sub3A_33 : vector<16xf32>
        %add3A_726 = arith.addf %get3A_11, %mul3A_725 : vector<16xf32>
        %mul3A_727 = arith.constant 16 : i32
        %mul3A_728 = arith.muli %scan3A_267, %mul3A_727 : i32
        %add3A_729 = arith.constant 10 : i32
        %add3A_730 = arith.addi %mul3A_728, %add3A_729 : i32
        %swap3A_731 = arith.index_cast %rem3A_177 : i32 to index
        %swap3A_732 = arith.index_cast %add3A_730 : i32 to index
        %swap3A_733 = arith.constant 32 : index
        %swap3A_734 = tpu.vector_load %arg7[%swap3A_731, %swap3A_732, %swap3A_733] {strides = array<i32>} : memref<2x400x64xf32, #tpu.memory_space<vmem>>, vector<16xf32>,
        tpu.vector_store %arg7[%swap3A_731, %swap3A_732, %swap3A_733], %add3A_726 {strides = array<i32>} : memref<2x400x64xf32, #tpu.memory_space<vmem>>, vector<16xf32>,
        %mul3A_735 = arith.mulf %broadcast_in_dim3A_704, %sub3A_34 : vector<16xf32>
        %add3A_736 = arith.addf %get3A_15, %mul3A_735 : vector<16xf32>
        %mul3A_737 = arith.constant 16 : i32
        %mul3A_738 = arith.muli %scan3A_267, %mul3A_737 : i32
        %add3A_739 = arith.constant 10 : i32
        %add3A_740 = arith.addi %mul3A_738, %add3A_739 : i32
        %swap3A_741 = arith.index_cast %rem3A_177 : i32 to index
        %swap3A_742 = arith.index_cast %add3A_740 : i32 to index
        %swap3A_743 = arith.constant 48 : index
        %swap3A_744 = tpu.vector_load %arg7[%swap3A_741, %swap3A_742, %swap3A_743] {strides = array<i32>} : memref<2x400x64xf32, #tpu.memory_space<vmem>>, vector<16xf32>,
        tpu.vector_store %arg7[%swap3A_741, %swap3A_742, %swap3A_743], %add3A_736 {strides = array<i32>} : memref<2x400x64xf32, #tpu.memory_space<vmem>>, vector<16xf32>,
        %slice3A_745 = vector.extract_strided_slice %convert_element_type3A_275 {offsets = [11], sizes = [1], strides = [1]} : vector<16xf32> to vector<1xf32>
        %squeeze3A_746 = vector.extract %slice3A_745[0] : f32 from vector<1xf32>
        %broadcast_in_dim3A_747 = vector.broadcast %squeeze3A_746 : f32 to vector<16xf32>
        %mul3A_748 = arith.mulf %broadcast_in_dim3A_747, %sub3A : vector<16xf32>
        %add3A_749 = arith.addf %get3A_3, %mul3A_748 : vector<16xf32>
        %mul3A_750 = arith.constant 16 : i32
        %mul3A_751 = arith.muli %scan3A_267, %mul3A_750 : i32
        %add3A_752 = arith.constant 11 : i32
        %add3A_753 = arith.addi %mul3A_751, %add3A_752 : i32
        %swap3A_754 = arith.index_cast %rem3A_177 : i32 to index
        %swap3A_755 = arith.index_cast %add3A_753 : i32 to index
        %swap3A_756 = arith.constant 0 : index
        %swap3A_757 = tpu.vector_load %arg7[%swap3A_754, %swap3A_755, %swap3A_756] {strides = array<i32>} : memref<2x400x64xf32, #tpu.memory_space<vmem>>, vector<16xf32>,
        tpu.vector_store %arg7[%swap3A_754, %swap3A_755, %swap3A_756], %add3A_749 {strides = array<i32>} : memref<2x400x64xf32, #tpu.memory_space<vmem>>, vector<16xf32>,
        %mul3A_758 = arith.mulf %broadcast_in_dim3A_747, %sub3A_32 : vector<16xf32>
        %add3A_759 = arith.addf %get3A_7, %mul3A_758 : vector<16xf32>
        %mul3A_760 = arith.constant 16 : i32
        %mul3A_761 = arith.muli %scan3A_267, %mul3A_760 : i32
        %add3A_762 = arith.constant 11 : i32
        %add3A_763 = arith.addi %mul3A_761, %add3A_762 : i32
        %swap3A_764 = arith.index_cast %rem3A_177 : i32 to index
        %swap3A_765 = arith.index_cast %add3A_763 : i32 to index
        %swap3A_766 = arith.constant 16 : index
        %swap3A_767 = tpu.vector_load %arg7[%swap3A_764, %swap3A_765, %swap3A_766] {strides = array<i32>} : memref<2x400x64xf32, #tpu.memory_space<vmem>>, vector<16xf32>,
        tpu.vector_store %arg7[%swap3A_764, %swap3A_765, %swap3A_766], %add3A_759 {strides = array<i32>} : memref<2x400x64xf32, #tpu.memory_space<vmem>>, vector<16xf32>,
        %mul3A_768 = arith.mulf %broadcast_in_dim3A_747, %sub3A_33 : vector<16xf32>
        %add3A_769 = arith.addf %get3A_11, %mul3A_768 : vector<16xf32>
        %mul3A_770 = arith.constant 16 : i32
        %mul3A_771 = arith.muli %scan3A_267, %mul3A_770 : i32
        %add3A_772 = arith.constant 11 : i32
        %add3A_773 = arith.addi %mul3A_771, %add3A_772 : i32
        %swap3A_774 = arith.index_cast %rem3A_177 : i32 to index
        %swap3A_775 = arith.index_cast %add3A_773 : i32 to index
        %swap3A_776 = arith.constant 32 : index
        %swap3A_777 = tpu.vector_load %arg7[%swap3A_774, %swap3A_775, %swap3A_776] {strides = array<i32>} : memref<2x400x64xf32, #tpu.memory_space<vmem>>, vector<16xf32>,
        tpu.vector_store %arg7[%swap3A_774, %swap3A_775, %swap3A_776], %add3A_769 {strides = array<i32>} : memref<2x400x64xf32, #tpu.memory_space<vmem>>, vector<16xf32>,
        %mul3A_778 = arith.mulf %broadcast_in_dim3A_747, %sub3A_34 : vector<16xf32>
        %add3A_779 = arith.addf %get3A_15, %mul3A_778 : vector<16xf32>
        %mul3A_780 = arith.constant 16 : i32
        %mul3A_781 = arith.muli %scan3A_267, %mul3A_780 : i32
        %add3A_782 = arith.constant 11 : i32
        %add3A_783 = arith.addi %mul3A_781, %add3A_782 : i32
        %swap3A_784 = arith.index_cast %rem3A_177 : i32 to index
        %swap3A_785 = arith.index_cast %add3A_783 : i32 to index
        %swap3A_786 = arith.constant 48 : index
        %swap3A_787 = tpu.vector_load %arg7[%swap3A_784, %swap3A_785, %swap3A_786] {strides = array<i32>} : memref<2x400x64xf32, #tpu.memory_space<vmem>>, vector<16xf32>,
        tpu.vector_store %arg7[%swap3A_784, %swap3A_785, %swap3A_786], %add3A_779 {strides = array<i32>} : memref<2x400x64xf32, #tpu.memory_space<vmem>>, vector<16xf32>,
        %slice3A_788 = vector.extract_strided_slice %convert_element_type3A_275 {offsets = [12], sizes = [1], strides = [1]} : vector<16xf32> to vector<1xf32>
        %squeeze3A_789 = vector.extract %slice3A_788[0] : f32 from vector<1xf32>
        %broadcast_in_dim3A_790 = vector.broadcast %squeeze3A_789 : f32 to vector<16xf32>
        %mul3A_791 = arith.mulf %broadcast_in_dim3A_790, %sub3A : vector<16xf32>
        %add3A_792 = arith.addf %get3A_3, %mul3A_791 : vector<16xf32>
        %mul3A_793 = arith.constant 16 : i32
        %mul3A_794 = arith.muli %scan3A_267, %mul3A_793 : i32
        %add3A_795 = arith.constant 12 : i32
        %add3A_796 = arith.addi %mul3A_794, %add3A_795 : i32
        %swap3A_797 = arith.index_cast %rem3A_177 : i32 to index
        %swap3A_798 = arith.index_cast %add3A_796 : i32 to index
        %swap3A_799 = arith.constant 0 : index
        %swap3A_800 = tpu.vector_load %arg7[%swap3A_797, %swap3A_798, %swap3A_799] {strides = array<i32>} : memref<2x400x64xf32, #tpu.memory_space<vmem>>, vector<16xf32>,
        tpu.vector_store %arg7[%swap3A_797, %swap3A_798, %swap3A_799], %add3A_792 {strides = array<i32>} : memref<2x400x64xf32, #tpu.memory_space<vmem>>, vector<16xf32>,
        %mul3A_801 = arith.mulf %broadcast_in_dim3A_790, %sub3A_32 : vector<16xf32>
        %add3A_802 = arith.addf %get3A_7, %mul3A_801 : vector<16xf32>
        %mul3A_803 = arith.constant 16 : i32
        %mul3A_804 = arith.muli %scan3A_267, %mul3A_803 : i32
        %add3A_805 = arith.constant 12 : i32
        %add3A_806 = arith.addi %mul3A_804, %add3A_805 : i32
        %swap3A_807 = arith.index_cast %rem3A_177 : i32 to index
        %swap3A_808 = arith.index_cast %add3A_806 : i32 to index
        %swap3A_809 = arith.constant 16 : index
        %swap3A_810 = tpu.vector_load %arg7[%swap3A_807, %swap3A_808, %swap3A_809] {strides = array<i32>} : memref<2x400x64xf32, #tpu.memory_space<vmem>>, vector<16xf32>,
        tpu.vector_store %arg7[%swap3A_807, %swap3A_808, %swap3A_809], %add3A_802 {strides = array<i32>} : memref<2x400x64xf32, #tpu.memory_space<vmem>>, vector<16xf32>,
        %mul3A_811 = arith.mulf %broadcast_in_dim3A_790, %sub3A_33 : vector<16xf32>
        %add3A_812 = arith.addf %get3A_11, %mul3A_811 : vector<16xf32>
        %mul3A_813 = arith.constant 16 : i32
        %mul3A_814 = arith.muli %scan3A_267, %mul3A_813 : i32
        %add3A_815 = arith.constant 12 : i32
        %add3A_816 = arith.addi %mul3A_814, %add3A_815 : i32
        %swap3A_817 = arith.index_cast %rem3A_177 : i32 to index
        %swap3A_818 = arith.index_cast %add3A_816 : i32 to index
        %swap3A_819 = arith.constant 32 : index
        %swap3A_820 = tpu.vector_load %arg7[%swap3A_817, %swap3A_818, %swap3A_819] {strides = array<i32>} : memref<2x400x64xf32, #tpu.memory_space<vmem>>, vector<16xf32>,
        tpu.vector_store %arg7[%swap3A_817, %swap3A_818, %swap3A_819], %add3A_812 {strides = array<i32>} : memref<2x400x64xf32, #tpu.memory_space<vmem>>, vector<16xf32>,
        %mul3A_821 = arith.mulf %broadcast_in_dim3A_790, %sub3A_34 : vector<16xf32>
        %add3A_822 = arith.addf %get3A_15, %mul3A_821 : vector<16xf32>
        %mul3A_823 = arith.constant 16 : i32
        %mul3A_824 = arith.muli %scan3A_267, %mul3A_823 : i32
        %add3A_825 = arith.constant 12 : i32
        %add3A_826 = arith.addi %mul3A_824, %add3A_825 : i32
        %swap3A_827 = arith.index_cast %rem3A_177 : i32 to index
        %swap3A_828 = arith.index_cast %add3A_826 : i32 to index
        %swap3A_829 = arith.constant 48 : index
        %swap3A_830 = tpu.vector_load %arg7[%swap3A_827, %swap3A_828, %swap3A_829] {strides = array<i32>} : memref<2x400x64xf32, #tpu.memory_space<vmem>>, vector<16xf32>,
        tpu.vector_store %arg7[%swap3A_827, %swap3A_828, %swap3A_829], %add3A_822 {strides = array<i32>} : memref<2x400x64xf32, #tpu.memory_space<vmem>>, vector<16xf32>,
        %slice3A_831 = vector.extract_strided_slice %convert_element_type3A_275 {offsets = [13], sizes = [1], strides = [1]} : vector<16xf32> to vector<1xf32>
        %squeeze3A_832 = vector.extract %slice3A_831[0] : f32 from vector<1xf32>
        %broadcast_in_dim3A_833 = vector.broadcast %squeeze3A_832 : f32 to vector<16xf32>
        %mul3A_834 = arith.mulf %broadcast_in_dim3A_833, %sub3A : vector<16xf32>
        %add3A_835 = arith.addf %get3A_3, %mul3A_834 : vector<16xf32>
        %mul3A_836 = arith.constant 16 : i32
        %mul3A_837 = arith.muli %scan3A_267, %mul3A_836 : i32
        %add3A_838 = arith.constant 13 : i32
        %add3A_839 = arith.addi %mul3A_837, %add3A_838 : i32
        %swap3A_840 = arith.index_cast %rem3A_177 : i32 to index
        %swap3A_841 = arith.index_cast %add3A_839 : i32 to index
        %swap3A_842 = arith.constant 0 : index
        %swap3A_843 = tpu.vector_load %arg7[%swap3A_840, %swap3A_841, %swap3A_842] {strides = array<i32>} : memref<2x400x64xf32, #tpu.memory_space<vmem>>, vector<16xf32>,
        tpu.vector_store %arg7[%swap3A_840, %swap3A_841, %swap3A_842], %add3A_835 {strides = array<i32>} : memref<2x400x64xf32, #tpu.memory_space<vmem>>, vector<16xf32>,
        %mul3A_844 = arith.mulf %broadcast_in_dim3A_833, %sub3A_32 : vector<16xf32>
        %add3A_845 = arith.addf %get3A_7, %mul3A_844 : vector<16xf32>
        %mul3A_846 = arith.constant 16 : i32
        %mul3A_847 = arith.muli %scan3A_267, %mul3A_846 : i32
        %add3A_848 = arith.constant 13 : i32
        %add3A_849 = arith.addi %mul3A_847, %add3A_848 : i32
        %swap3A_850 = arith.index_cast %rem3A_177 : i32 to index
        %swap3A_851 = arith.index_cast %add3A_849 : i32 to index
        %swap3A_852 = arith.constant 16 : index
        %swap3A_853 = tpu.vector_load %arg7[%swap3A_850, %swap3A_851, %swap3A_852] {strides = array<i32>} : memref<2x400x64xf32, #tpu.memory_space<vmem>>, vector<16xf32>,
        tpu.vector_store %arg7[%swap3A_850, %swap3A_851, %swap3A_852], %add3A_845 {strides = array<i32>} : memref<2x400x64xf32, #tpu.memory_space<vmem>>, vector<16xf32>,
        %mul3A_854 = arith.mulf %broadcast_in_dim3A_833, %sub3A_33 : vector<16xf32>
        %add3A_855 = arith.addf %get3A_11, %mul3A_854 : vector<16xf32>
        %mul3A_856 = arith.constant 16 : i32
        %mul3A_857 = arith.muli %scan3A_267, %mul3A_856 : i32
        %add3A_858 = arith.constant 13 : i32
        %add3A_859 = arith.addi %mul3A_857, %add3A_858 : i32
        %swap3A_860 = arith.index_cast %rem3A_177 : i32 to index
        %swap3A_861 = arith.index_cast %add3A_859 : i32 to index
        %swap3A_862 = arith.constant 32 : index
        %swap3A_863 = tpu.vector_load %arg7[%swap3A_860, %swap3A_861, %swap3A_862] {strides = array<i32>} : memref<2x400x64xf32, #tpu.memory_space<vmem>>, vector<16xf32>,
        tpu.vector_store %arg7[%swap3A_860, %swap3A_861, %swap3A_862], %add3A_855 {strides = array<i32>} : memref<2x400x64xf32, #tpu.memory_space<vmem>>, vector<16xf32>,
        %mul3A_864 = arith.mulf %broadcast_in_dim3A_833, %sub3A_34 : vector<16xf32>
        %add3A_865 = arith.addf %get3A_15, %mul3A_864 : vector<16xf32>
        %mul3A_866 = arith.constant 16 : i32
        %mul3A_867 = arith.muli %scan3A_267, %mul3A_866 : i32
        %add3A_868 = arith.constant 13 : i32
        %add3A_869 = arith.addi %mul3A_867, %add3A_868 : i32
        %swap3A_870 = arith.index_cast %rem3A_177 : i32 to index
        %swap3A_871 = arith.index_cast %add3A_869 : i32 to index
        %swap3A_872 = arith.constant 48 : index
        %swap3A_873 = tpu.vector_load %arg7[%swap3A_870, %swap3A_871, %swap3A_872] {strides = array<i32>} : memref<2x400x64xf32, #tpu.memory_space<vmem>>, vector<16xf32>,
        tpu.vector_store %arg7[%swap3A_870, %swap3A_871, %swap3A_872], %add3A_865 {strides = array<i32>} : memref<2x400x64xf32, #tpu.memory_space<vmem>>, vector<16xf32>,
        %slice3A_874 = vector.extract_strided_slice %convert_element_type3A_275 {offsets = [14], sizes = [1], strides = [1]} : vector<16xf32> to vector<1xf32>
        %squeeze3A_875 = vector.extract %slice3A_874[0] : f32 from vector<1xf32>
        %broadcast_in_dim3A_876 = vector.broadcast %squeeze3A_875 : f32 to vector<16xf32>
        %mul3A_877 = arith.mulf %broadcast_in_dim3A_876, %sub3A : vector<16xf32>
        %add3A_878 = arith.addf %get3A_3, %mul3A_877 : vector<16xf32>
        %mul3A_879 = arith.constant 16 : i32
        %mul3A_880 = arith.muli %scan3A_267, %mul3A_879 : i32
        %add3A_881 = arith.constant 14 : i32
        %add3A_882 = arith.addi %mul3A_880, %add3A_881 : i32
        %swap3A_883 = arith.index_cast %rem3A_177 : i32 to index
        %swap3A_884 = arith.index_cast %add3A_882 : i32 to index
        %swap3A_885 = arith.constant 0 : index
        %swap3A_886 = tpu.vector_load %arg7[%swap3A_883, %swap3A_884, %swap3A_885] {strides = array<i32>} : memref<2x400x64xf32, #tpu.memory_space<vmem>>, vector<16xf32>,
        tpu.vector_store %arg7[%swap3A_883, %swap3A_884, %swap3A_885], %add3A_878 {strides = array<i32>} : memref<2x400x64xf32, #tpu.memory_space<vmem>>, vector<16xf32>,
        %mul3A_887 = arith.mulf %broadcast_in_dim3A_876, %sub3A_32 : vector<16xf32>
        %add3A_888 = arith.addf %get3A_7, %mul3A_887 : vector<16xf32>
        %mul3A_889 = arith.constant 16 : i32
        %mul3A_890 = arith.muli %scan3A_267, %mul3A_889 : i32
        %add3A_891 = arith.constant 14 : i32
        %add3A_892 = arith.addi %mul3A_890, %add3A_891 : i32
        %swap3A_893 = arith.index_cast %rem3A_177 : i32 to index
        %swap3A_894 = arith.index_cast %add3A_892 : i32 to index
        %swap3A_895 = arith.constant 16 : index
        %swap3A_896 = tpu.vector_load %arg7[%swap3A_893, %swap3A_894, %swap3A_895] {strides = array<i32>} : memref<2x400x64xf32, #tpu.memory_space<vmem>>, vector<16xf32>,
        tpu.vector_store %arg7[%swap3A_893, %swap3A_894, %swap3A_895], %add3A_888 {strides = array<i32>} : memref<2x400x64xf32, #tpu.memory_space<vmem>>, vector<16xf32>,
        %mul3A_897 = arith.mulf %broadcast_in_dim3A_876, %sub3A_33 : vector<16xf32>
        %add3A_898 = arith.addf %get3A_11, %mul3A_897 : vector<16xf32>
        %mul3A_899 = arith.constant 16 : i32
        %mul3A_900 = arith.muli %scan3A_267, %mul3A_899 : i32
        %add3A_901 = arith.constant 14 : i32
        %add3A_902 = arith.addi %mul3A_900, %add3A_901 : i32
        %swap3A_903 = arith.index_cast %rem3A_177 : i32 to index
        %swap3A_904 = arith.index_cast %add3A_902 : i32 to index
        %swap3A_905 = arith.constant 32 : index
        %swap3A_906 = tpu.vector_load %arg7[%swap3A_903, %swap3A_904, %swap3A_905] {strides = array<i32>} : memref<2x400x64xf32, #tpu.memory_space<vmem>>, vector<16xf32>,
        tpu.vector_store %arg7[%swap3A_903, %swap3A_904, %swap3A_905], %add3A_898 {strides = array<i32>} : memref<2x400x64xf32, #tpu.memory_space<vmem>>, vector<16xf32>,
        %mul3A_907 = arith.mulf %broadcast_in_dim3A_876, %sub3A_34 : vector<16xf32>
        %add3A_908 = arith.addf %get3A_15, %mul3A_907 : vector<16xf32>
        %mul3A_909 = arith.constant 16 : i32
        %mul3A_910 = arith.muli %scan3A_267, %mul3A_909 : i32
        %add3A_911 = arith.constant 14 : i32
        %add3A_912 = arith.addi %mul3A_910, %add3A_911 : i32
        %swap3A_913 = arith.index_cast %rem3A_177 : i32 to index
        %swap3A_914 = arith.index_cast %add3A_912 : i32 to index
        %swap3A_915 = arith.constant 48 : index
        %swap3A_916 = tpu.vector_load %arg7[%swap3A_913, %swap3A_914, %swap3A_915] {strides = array<i32>} : memref<2x400x64xf32, #tpu.memory_space<vmem>>, vector<16xf32>,
        tpu.vector_store %arg7[%swap3A_913, %swap3A_914, %swap3A_915], %add3A_908 {strides = array<i32>} : memref<2x400x64xf32, #tpu.memory_space<vmem>>, vector<16xf32>,
        %slice3A_917 = vector.extract_strided_slice %convert_element_type3A_275 {offsets = [15], sizes = [1], strides = [1]} : vector<16xf32> to vector<1xf32>
        %squeeze3A_918 = vector.extract %slice3A_917[0] : f32 from vector<1xf32>
        %broadcast_in_dim3A_919 = vector.broadcast %squeeze3A_918 : f32 to vector<16xf32>
        %mul3A_920 = arith.mulf %broadcast_in_dim3A_919, %sub3A : vector<16xf32>
        %add3A_921 = arith.addf %get3A_3, %mul3A_920 : vector<16xf32>
        %mul3A_922 = arith.constant 16 : i32
        %mul3A_923 = arith.muli %scan3A_267, %mul3A_922 : i32
        %add3A_924 = arith.constant 15 : i32
        %add3A_925 = arith.addi %mul3A_923, %add3A_924 : i32
        %swap3A_926 = arith.index_cast %rem3A_177 : i32 to index
        %swap3A_927 = arith.index_cast %add3A_925 : i32 to index
        %swap3A_928 = arith.constant 0 : index
        %swap3A_929 = tpu.vector_load %arg7[%swap3A_926, %swap3A_927, %swap3A_928] {strides = array<i32>} : memref<2x400x64xf32, #tpu.memory_space<vmem>>, vector<16xf32>,
        tpu.vector_store %arg7[%swap3A_926, %swap3A_927, %swap3A_928], %add3A_921 {strides = array<i32>} : memref<2x400x64xf32, #tpu.memory_space<vmem>>, vector<16xf32>,
        %mul3A_930 = arith.mulf %broadcast_in_dim3A_919, %sub3A_32 : vector<16xf32>
        %add3A_931 = arith.addf %get3A_7, %mul3A_930 : vector<16xf32>
        %mul3A_932 = arith.constant 16 : i32
        %mul3A_933 = arith.muli %scan3A_267, %mul3A_932 : i32
        %add3A_934 = arith.constant 15 : i32
        %add3A_935 = arith.addi %mul3A_933, %add3A_934 : i32
        %swap3A_936 = arith.index_cast %rem3A_177 : i32 to index
        %swap3A_937 = arith.index_cast %add3A_935 : i32 to index
        %swap3A_938 = arith.constant 16 : index
        %swap3A_939 = tpu.vector_load %arg7[%swap3A_936, %swap3A_937, %swap3A_938] {strides = array<i32>} : memref<2x400x64xf32, #tpu.memory_space<vmem>>, vector<16xf32>,
        tpu.vector_store %arg7[%swap3A_936, %swap3A_937, %swap3A_938], %add3A_931 {strides = array<i32>} : memref<2x400x64xf32, #tpu.memory_space<vmem>>, vector<16xf32>,
        %mul3A_940 = arith.mulf %broadcast_in_dim3A_919, %sub3A_33 : vector<16xf32>
        %add3A_941 = arith.addf %get3A_11, %mul3A_940 : vector<16xf32>
        %mul3A_942 = arith.constant 16 : i32
        %mul3A_943 = arith.muli %scan3A_267, %mul3A_942 : i32
        %add3A_944 = arith.constant 15 : i32
        %add3A_945 = arith.addi %mul3A_943, %add3A_944 : i32
        %swap3A_946 = arith.index_cast %rem3A_177 : i32 to index
        %swap3A_947 = arith.index_cast %add3A_945 : i32 to index
        %swap3A_948 = arith.constant 32 : index
        %swap3A_949 = tpu.vector_load %arg7[%swap3A_946, %swap3A_947, %swap3A_948] {strides = array<i32>} : memref<2x400x64xf32, #tpu.memory_space<vmem>>, vector<16xf32>,
        tpu.vector_store %arg7[%swap3A_946, %swap3A_947, %swap3A_948], %add3A_941 {strides = array<i32>} : memref<2x400x64xf32, #tpu.memory_space<vmem>>, vector<16xf32>,
        %mul3A_950 = arith.mulf %broadcast_in_dim3A_919, %sub3A_34 : vector<16xf32>
        %add3A_951 = arith.addf %get3A_15, %mul3A_950 : vector<16xf32>
        %mul3A_952 = arith.constant 16 : i32
        %mul3A_953 = arith.muli %scan3A_267, %mul3A_952 : i32
        %add3A_954 = arith.constant 15 : i32
        %add3A_955 = arith.addi %mul3A_953, %add3A_954 : i32
        %swap3A_956 = arith.index_cast %rem3A_177 : i32 to index
        %swap3A_957 = arith.index_cast %add3A_955 : i32 to index
        %swap3A_958 = arith.constant 48 : index
        %swap3A_959 = tpu.vector_load %arg7[%swap3A_956, %swap3A_957, %swap3A_958] {strides = array<i32>} : memref<2x400x64xf32, #tpu.memory_space<vmem>>, vector<16xf32>,
        tpu.vector_store %arg7[%swap3A_956, %swap3A_957, %swap3A_958], %add3A_951 {strides = array<i32>} : memref<2x400x64xf32, #tpu.memory_space<vmem>>, vector<16xf32>,
      }
      %scan3A_204 = arith.constant 25 : i32
      %rem3A_205 = arith.constant 2 : i32
      %rem3A_206 = arith.remsi %scan3A_173, %rem3A_205 : i32
      %mul3A_207 = arith.constant 512 : i32
      %mul3A_208 = arith.muli %add3A, %mul3A_207 : i32
      %mul3A_209 = arith.constant 2 : i32
      %mul3A_210 = arith.muli %scan3A_173, %mul3A_209 : i32
      %add3A_211 = arith.addi %mul3A_208, %mul3A_210 : i32
      %add3A_212 = arith.constant 0 : i32
      %add3A_213 = arith.addi %add3A_211, %add3A_212 : i32
      %mul3A_214 = arith.constant 2 : i32
      %mul3A_215 = arith.muli %rem3A_206, %mul3A_214 : i32
      %add3A_216 = arith.constant 0 : i32
      %add3A_217 = arith.addi %mul3A_215, %add3A_216 : i32
      %dma_start3A_218 = arith.constant 0 : i32
      %dma_start3A_219 = arith.constant 0 : i32
      %dma_start3A_220 = tpu.memref_slice %arg7[%rem3A_206, %dma_start3A_218, %dma_start3A_219] : memref<2x400x64xf32, #tpu.memory_space<vmem>> -> memref<1x200x64xf32, #tpu.memory_space<vmem>>
      %dma_start3A_221 = tpu.memref_squeeze %dma_start3A_220 : memref<1x200x64xf32, #tpu.memory_space<vmem>> -> memref<200x64xf32, #tpu.memory_space<vmem>>
      %dma_start3A_222 = arith.constant 0 : i32
      %dma_start3A_223 = arith.constant 0 : i32
      %dma_start3A_224 = tpu.memref_slice %arg4[%add3A_213, %dma_start3A_222, %dma_start3A_223] : memref<16384x200x64xf32, #tpu.memory_space<hbm>> -> memref<1x200x64xf32, #tpu.memory_space<hbm>>
      %dma_start3A_225 = tpu.memref_squeeze %dma_start3A_224 : memref<1x200x64xf32, #tpu.memory_space<hbm>> -> memref<200x64xf32, #tpu.memory_space<hbm>>
      %dma_start3A_226 = tpu.memref_slice %arg9[%add3A_217] : memref<4x!tpu.dma_semaphore, #tpu.memory_space<semaphore_mem>> -> memref<1x!tpu.dma_semaphore, #tpu.memory_space<semaphore_mem>>
      %dma_start3A_227 = tpu.memref_squeeze %dma_start3A_226 : memref<1x!tpu.dma_semaphore, #tpu.memory_space<semaphore_mem>> -> memref<!tpu.dma_semaphore, #tpu.memory_space<semaphore_mem>>
      %dma_start3A_228 = arith.constant 0 : i32
      %dma_start3A_229 = arith.constant 0 : i32
      %dma_start3A_230 = tpu.memref_slice %arg4[%add3A_213, %dma_start3A_228, %dma_start3A_229] : memref<16384x200x64xf32, #tpu.memory_space<hbm>> -> memref<1x200x64xf32, #tpu.memory_space<hbm>>
      %dma_start3A_231 = tpu.memref_squeeze %dma_start3A_230 : memref<1x200x64xf32, #tpu.memory_space<hbm>> -> memref<200x64xf32, #tpu.memory_space<hbm>>
      %dma_start3A_232 = arith.constant 0 : i32
      %dma_start3A_233 = arith.constant 0 : i32
      %dma_start3A_234 = tpu.memref_slice %arg7[%rem3A_206, %dma_start3A_232, %dma_start3A_233] : memref<2x400x64xf32, #tpu.memory_space<vmem>> -> memref<1x200x64xf32, #tpu.memory_space<vmem>>
      %dma_start3A_235 = tpu.memref_squeeze %dma_start3A_234 : memref<1x200x64xf32, #tpu.memory_space<vmem>> -> memref<200x64xf32, #tpu.memory_space<vmem>>
      tpu.enqueue_dma source(%dma_start3A_235 : memref<200x64xf32, #tpu.memory_space<vmem>>) target(%dma_start3A_231 : memref<200x64xf32, #tpu.memory_space<hbm>>) target_semaphore(%dma_start3A_227 : memref<!tpu.dma_semaphore, #tpu.memory_space<semaphore_mem>>)
      %rem3A_236 = arith.constant 2 : i32
      %rem3A_237 = arith.remsi %scan3A_173, %rem3A_236 : i32
      %mul3A_238 = arith.constant 512 : i32
      %mul3A_239 = arith.muli %add3A, %mul3A_238 : i32
      %mul3A_240 = arith.constant 2 : i32
      %mul3A_241 = arith.muli %scan3A_173, %mul3A_240 : i32
      %add3A_242 = arith.addi %mul3A_239, %mul3A_241 : i32
      %add3A_243 = arith.constant 1 : i32
      %add3A_244 = arith.addi %add3A_242, %add3A_243 : i32
      %mul3A_245 = arith.constant 2 : i32
      %mul3A_246 = arith.muli %rem3A_237, %mul3A_245 : i32
      %add3A_247 = arith.constant 1 : i32
      %add3A_248 = arith.addi %mul3A_246, %add3A_247 : i32
      %dma_start3A_249 = arith.constant 200 : i32
      %dma_start3A_250 = arith.constant 0 : i32
      %dma_start3A_251 = tpu.memref_slice %arg7[%rem3A_237, %dma_start3A_249, %dma_start3A_250] : memref<2x400x64xf32, #tpu.memory_space<vmem>> -> memref<1x200x64xf32, #tpu.memory_space<vmem>>
      %dma_start3A_252 = tpu.memref_squeeze %dma_start3A_251 : memref<1x200x64xf32, #tpu.memory_space<vmem>> -> memref<200x64xf32, #tpu.memory_space<vmem>>
      %dma_start3A_253 = arith.constant 0 : i32
      %dma_start3A_254 = arith.constant 0 : i32
      %dma_start3A_255 = tpu.memref_slice %arg4[%add3A_244, %dma_start3A_253, %dma_start3A_254] : memref<16384x200x64xf32, #tpu.memory_space<hbm>> -> memref<1x200x64xf32, #tpu.memory_space<hbm>>
      %dma_start3A_256 = tpu.memref_squeeze %dma_start3A_255 : memref<1x200x64xf32, #tpu.memory_space<hbm>> -> memref<200x64xf32, #tpu.memory_space<hbm>>
      %dma_start3A_257 = tpu.memref_slice %arg9[%add3A_248] : memref<4x!tpu.dma_semaphore, #tpu.memory_space<semaphore_mem>> -> memref<1x!tpu.dma_semaphore, #tpu.memory_space<semaphore_mem>>
      %dma_start3A_258 = tpu.memref_squeeze %dma_start3A_257 : memref<1x!tpu.dma_semaphore, #tpu.memory_space<semaphore_mem>> -> memref<!tpu.dma_semaphore, #tpu.memory_space<semaphore_mem>>
      %dma_start3A_259 = arith.constant 0 : i32
      %dma_start3A_260 = arith.constant 0 : i32
      %dma_start3A_261 = tpu.memref_slice %arg4[%add3A_244, %dma_start3A_259, %dma_start3A_260] : memref<16384x200x64xf32, #tpu.memory_space<hbm>> -> memref<1x200x64xf32, #tpu.memory_space<hbm>>
      %dma_start3A_262 = tpu.memref_squeeze %dma_start3A_261 : memref<1x200x64xf32, #tpu.memory_space<hbm>> -> memref<200x64xf32, #tpu.memory_space<hbm>>
      %dma_start3A_263 = arith.constant 200 : i32
      %dma_start3A_264 = arith.constant 0 : i32
      %dma_start3A_265 = tpu.memref_slice %arg7[%rem3A_237, %dma_start3A_263, %dma_start3A_264] : memref<2x400x64xf32, #tpu.memory_space<vmem>> -> memref<1x200x64xf32, #tpu.memory_space<vmem>>
      %dma_start3A_266 = tpu.memref_squeeze %dma_start3A_265 : memref<1x200x64xf32, #tpu.memory_space<vmem>> -> memref<200x64xf32, #tpu.memory_space<vmem>>
      tpu.enqueue_dma source(%dma_start3A_266 : memref<200x64xf32, #tpu.memory_space<vmem>>) target(%dma_start3A_262 : memref<200x64xf32, #tpu.memory_space<hbm>>) target_semaphore(%dma_start3A_258 : memref<!tpu.dma_semaphore, #tpu.memory_space<semaphore_mem>>)
    }
    %scan3A_50 = arith.constant 256 : i32
    %rem3A = arith.constant 255 : i32
    %rem3A_51 = arith.constant 2 : i32
    %rem3A_52 = arith.remsi %rem3A, %rem3A_51 : i32
    %mul3A_53 = arith.constant 512 : i32
    %mul3A_54 = arith.muli %add3A, %mul3A_53 : i32
    %add3A_55 = arith.constant 510 : i32
    %add3A_56 = arith.addi %mul3A_54, %add3A_55 : i32
    %add3A_57 = arith.constant 0 : i32
    %add3A_58 = arith.addi %add3A_56, %add3A_57 : i32
    %mul3A_59 = arith.constant 2 : i32
    %mul3A_60 = arith.muli %rem3A_52, %mul3A_59 : i32
    %add3A_61 = arith.constant 0 : i32
    %add3A_62 = arith.addi %mul3A_60, %add3A_61 : i32
    %dma_wait3A = arith.constant 0 : i32
    %dma_wait3A_63 = arith.constant 0 : i32
    %dma_wait3A_64 = tpu.memref_slice %arg7[%rem3A_52, %dma_wait3A, %dma_wait3A_63] : memref<2x400x64xf32, #tpu.memory_space<vmem>> -> memref<1x200x64xf32, #tpu.memory_space<vmem>>
    %dma_wait3A_65 = tpu.memref_squeeze %dma_wait3A_64 : memref<1x200x64xf32, #tpu.memory_space<vmem>> -> memref<200x64xf32, #tpu.memory_space<vmem>>
    %dma_wait3A_66 = arith.constant 0 : i32
    %dma_wait3A_67 = arith.constant 0 : i32
    %dma_wait3A_68 = tpu.memref_slice %arg4[%add3A_58, %dma_wait3A_66, %dma_wait3A_67] : memref<16384x200x64xf32, #tpu.memory_space<hbm>> -> memref<1x200x64xf32, #tpu.memory_space<hbm>>
    %dma_wait3A_69 = tpu.memref_squeeze %dma_wait3A_68 : memref<1x200x64xf32, #tpu.memory_space<hbm>> -> memref<200x64xf32, #tpu.memory_space<hbm>>
    %dma_wait3A_70 = tpu.memref_slice %arg9[%add3A_62] : memref<4x!tpu.dma_semaphore, #tpu.memory_space<semaphore_mem>> -> memref<1x!tpu.dma_semaphore, #tpu.memory_space<semaphore_mem>>
    %dma_wait3A_71 = tpu.memref_squeeze %dma_wait3A_70 : memref<1x!tpu.dma_semaphore, #tpu.memory_space<semaphore_mem>> -> memref<!tpu.dma_semaphore, #tpu.memory_space<semaphore_mem>>
    %dma_wait3A_72 = arith.constant 0 : i32
    %dma_wait3A_73 = arith.constant 0 : i32
    %dma_wait3A_74 = tpu.memref_slice %arg4[%add3A_58, %dma_wait3A_72, %dma_wait3A_73] : memref<16384x200x64xf32, #tpu.memory_space<hbm>> -> memref<1x200x64xf32, #tpu.memory_space<hbm>>
    %dma_wait3A_75 = tpu.memref_squeeze %dma_wait3A_74 : memref<1x200x64xf32, #tpu.memory_space<hbm>> -> memref<200x64xf32, #tpu.memory_space<hbm>>
    %dma_wait3A_76 = arith.constant 0 : i32
    %dma_wait3A_77 = arith.constant 0 : i32
    %dma_wait3A_78 = tpu.memref_slice %arg7[%rem3A_52, %dma_wait3A_76, %dma_wait3A_77] : memref<2x400x64xf32, #tpu.memory_space<vmem>> -> memref<1x200x64xf32, #tpu.memory_space<vmem>>
    %dma_wait3A_79 = tpu.memref_squeeze %dma_wait3A_78 : memref<1x200x64xf32, #tpu.memory_space<vmem>> -> memref<200x64xf32, #tpu.memory_space<vmem>>
    tpu.wait_dma2 semaphore(%dma_wait3A_71 : memref<!tpu.dma_semaphore, #tpu.memory_space<semaphore_mem>>) src(%dma_wait3A_79 : memref<200x64xf32, #tpu.memory_space<vmem>>) dst(%dma_wait3A_75 : memref<200x64xf32, #tpu.memory_space<hbm>>)
    %rem3A_80 = arith.constant 255 : i32
    %rem3A_81 = arith.constant 2 : i32
    %rem3A_82 = arith.remsi %rem3A_80, %rem3A_81 : i32
    %mul3A_83 = arith.constant 512 : i32
    %mul3A_84 = arith.muli %add3A, %mul3A_83 : i32
    %add3A_85 = arith.constant 510 : i32
    %add3A_86 = arith.addi %mul3A_84, %add3A_85 : i32
    %add3A_87 = arith.constant 1 : i32
    %add3A_88 = arith.addi %add3A_86, %add3A_87 : i32
    %mul3A_89 = arith.constant 2 : i32
    %mul3A_90 = arith.muli %rem3A_82, %mul3A_89 : i32
    %add3A_91 = arith.constant 1 : i32
    %add3A_92 = arith.addi %mul3A_90, %add3A_91 : i32
    %dma_wait3A_93 = arith.constant 200 : i32
    %dma_wait3A_94 = arith.constant 0 : i32
    %dma_wait3A_95 = tpu.memref_slice %arg7[%rem3A_82, %dma_wait3A_93, %dma_wait3A_94] : memref<2x400x64xf32, #tpu.memory_space<vmem>> -> memref<1x200x64xf32, #tpu.memory_space<vmem>>
    %dma_wait3A_96 = tpu.memref_squeeze %dma_wait3A_95 : memref<1x200x64xf32, #tpu.memory_space<vmem>> -> memref<200x64xf32, #tpu.memory_space<vmem>>
    %dma_wait3A_97 = arith.constant 0 : i32
    %dma_wait3A_98 = arith.constant 0 : i32
    %dma_wait3A_99 = tpu.memref_slice %arg4[%add3A_88, %dma_wait3A_97, %dma_wait3A_98] : memref<16384x200x64xf32, #tpu.memory_space<hbm>> -> memref<1x200x64xf32, #tpu.memory_space<hbm>>
    %dma_wait3A_100 = tpu.memref_squeeze %dma_wait3A_99 : memref<1x200x64xf32, #tpu.memory_space<hbm>> -> memref<200x64xf32, #tpu.memory_space<hbm>>
    %dma_wait3A_101 = tpu.memref_slice %arg9[%add3A_92] : memref<4x!tpu.dma_semaphore, #tpu.memory_space<semaphore_mem>> -> memref<1x!tpu.dma_semaphore, #tpu.memory_space<semaphore_mem>>
    %dma_wait3A_102 = tpu.memref_squeeze %dma_wait3A_101 : memref<1x!tpu.dma_semaphore, #tpu.memory_space<semaphore_mem>> -> memref<!tpu.dma_semaphore, #tpu.memory_space<semaphore_mem>>
    %dma_wait3A_103 = arith.constant 0 : i32
    %dma_wait3A_104 = arith.constant 0 : i32
    %dma_wait3A_105 = tpu.memref_slice %arg4[%add3A_88, %dma_wait3A_103, %dma_wait3A_104] : memref<16384x200x64xf32, #tpu.memory_space<hbm>> -> memref<1x200x64xf32, #tpu.memory_space<hbm>>
    %dma_wait3A_106 = tpu.memref_squeeze %dma_wait3A_105 : memref<1x200x64xf32, #tpu.memory_space<hbm>> -> memref<200x64xf32, #tpu.memory_space<hbm>>
    %dma_wait3A_107 = arith.constant 200 : i32
    %dma_wait3A_108 = arith.constant 0 : i32
    %dma_wait3A_109 = tpu.memref_slice %arg7[%rem3A_82, %dma_wait3A_107, %dma_wait3A_108] : memref<2x400x64xf32, #tpu.memory_space<vmem>> -> memref<1x200x64xf32, #tpu.memory_space<vmem>>
    %dma_wait3A_110 = tpu.memref_squeeze %dma_wait3A_109 : memref<1x200x64xf32, #tpu.memory_space<vmem>> -> memref<200x64xf32, #tpu.memory_space<vmem>>
    tpu.wait_dma2 semaphore(%dma_wait3A_102 : memref<!tpu.dma_semaphore, #tpu.memory_space<semaphore_mem>>) src(%dma_wait3A_110 : memref<200x64xf32, #tpu.memory_space<vmem>>) dst(%dma_wait3A_106 : memref<200x64xf32, #tpu.memory_space<hbm>>)
    %rem3A_111 = arith.constant 254 : i32
    %rem3A_112 = arith.constant 2 : i32
    %rem3A_113 = arith.remsi %rem3A_111, %rem3A_112 : i32
    %mul3A_114 = arith.constant 512 : i32
    %mul3A_115 = arith.muli %add3A, %mul3A_114 : i32
    %add3A_116 = arith.constant 508 : i32
    %add3A_117 = arith.addi %mul3A_115, %add3A_116 : i32
    %add3A_118 = arith.constant 0 : i32
    %add3A_119 = arith.addi %add3A_117, %add3A_118 : i32
    %mul3A_120 = arith.constant 2 : i32
    %mul3A_121 = arith.muli %rem3A_113, %mul3A_120 : i32
    %add3A_122 = arith.constant 0 : i32
    %add3A_123 = arith.addi %mul3A_121, %add3A_122 : i32
    %dma_wait3A_124 = arith.constant 0 : i32
    %dma_wait3A_125 = arith.constant 0 : i32
    %dma_wait3A_126 = tpu.memref_slice %arg7[%rem3A_113, %dma_wait3A_124, %dma_wait3A_125] : memref<2x400x64xf32, #tpu.memory_space<vmem>> -> memref<1x200x64xf32, #tpu.memory_space<vmem>>
    %dma_wait3A_127 = tpu.memref_squeeze %dma_wait3A_126 : memref<1x200x64xf32, #tpu.memory_space<vmem>> -> memref<200x64xf32, #tpu.memory_space<vmem>>
    %dma_wait3A_128 = arith.constant 0 : i32
    %dma_wait3A_129 = arith.constant 0 : i32
    %dma_wait3A_130 = tpu.memref_slice %arg4[%add3A_119, %dma_wait3A_128, %dma_wait3A_129] : memref<16384x200x64xf32, #tpu.memory_space<hbm>> -> memref<1x200x64xf32, #tpu.memory_space<hbm>>
    %dma_wait3A_131 = tpu.memref_squeeze %dma_wait3A_130 : memref<1x200x64xf32, #tpu.memory_space<hbm>> -> memref<200x64xf32, #tpu.memory_space<hbm>>
    %dma_wait3A_132 = tpu.memref_slice %arg9[%add3A_123] : memref<4x!tpu.dma_semaphore, #tpu.memory_space<semaphore_mem>> -> memref<1x!tpu.dma_semaphore, #tpu.memory_space<semaphore_mem>>
    %dma_wait3A_133 = tpu.memref_squeeze %dma_wait3A_132 : memref<1x!tpu.dma_semaphore, #tpu.memory_space<semaphore_mem>> -> memref<!tpu.dma_semaphore, #tpu.memory_space<semaphore_mem>>
    %dma_wait3A_134 = arith.constant 0 : i32
    %dma_wait3A_135 = arith.constant 0 : i32
    %dma_wait3A_136 = tpu.memref_slice %arg4[%add3A_119, %dma_wait3A_134, %dma_wait3A_135] : memref<16384x200x64xf32, #tpu.memory_space<hbm>> -> memref<1x200x64xf32, #tpu.memory_space<hbm>>
    %dma_wait3A_137 = tpu.memref_squeeze %dma_wait3A_136 : memref<1x200x64xf32, #tpu.memory_space<hbm>> -> memref<200x64xf32, #tpu.memory_space<hbm>>
    %dma_wait3A_138 = arith.constant 0 : i32
    %dma_wait3A_139 = arith.constant 0 : i32
    %dma_wait3A_140 = tpu.memref_slice %arg7[%rem3A_113, %dma_wait3A_138, %dma_wait3A_139] : memref<2x400x64xf32, #tpu.memory_space<vmem>> -> memref<1x200x64xf32, #tpu.memory_space<vmem>>
    %dma_wait3A_141 = tpu.memref_squeeze %dma_wait3A_140 : memref<1x200x64xf32, #tpu.memory_space<vmem>> -> memref<200x64xf32, #tpu.memory_space<vmem>>
    tpu.wait_dma2 semaphore(%dma_wait3A_133 : memref<!tpu.dma_semaphore, #tpu.memory_space<semaphore_mem>>) src(%dma_wait3A_141 : memref<200x64xf32, #tpu.memory_space<vmem>>) dst(%dma_wait3A_137 : memref<200x64xf32, #tpu.memory_space<hbm>>)
    %rem3A_142 = arith.constant 254 : i32
    %rem3A_143 = arith.constant 2 : i32
    %rem3A_144 = arith.remsi %rem3A_142, %rem3A_143 : i32
    %mul3A_145 = arith.constant 512 : i32
    %mul3A_146 = arith.muli %add3A, %mul3A_145 : i32
    %add3A_147 = arith.constant 508 : i32
    %add3A_148 = arith.addi %mul3A_146, %add3A_147 : i32
    %add3A_149 = arith.constant 1 : i32
    %add3A_150 = arith.addi %add3A_148, %add3A_149 : i32
    %mul3A_151 = arith.constant 2 : i32
    %mul3A_152 = arith.muli %rem3A_144, %mul3A_151 : i32
    %add3A_153 = arith.constant 1 : i32
    %add3A_154 = arith.addi %mul3A_152, %add3A_153 : i32
    %dma_wait3A_155 = arith.constant 200 : i32
    %dma_wait3A_156 = arith.constant 0 : i32
    %dma_wait3A_157 = tpu.memref_slice %arg7[%rem3A_144, %dma_wait3A_155, %dma_wait3A_156] : memref<2x400x64xf32, #tpu.memory_space<vmem>> -> memref<1x200x64xf32, #tpu.memory_space<vmem>>
    %dma_wait3A_158 = tpu.memref_squeeze %dma_wait3A_157 : memref<1x200x64xf32, #tpu.memory_space<vmem>> -> memref<200x64xf32, #tpu.memory_space<vmem>>
    %dma_wait3A_159 = arith.constant 0 : i32
    %dma_wait3A_160 = arith.constant 0 : i32
    %dma_wait3A_161 = tpu.memref_slice %arg4[%add3A_150, %dma_wait3A_159, %dma_wait3A_160] : memref<16384x200x64xf32, #tpu.memory_space<hbm>> -> memref<1x200x64xf32, #tpu.memory_space<hbm>>
    %dma_wait3A_162 = tpu.memref_squeeze %dma_wait3A_161 : memref<1x200x64xf32, #tpu.memory_space<hbm>> -> memref<200x64xf32, #tpu.memory_space<hbm>>
    %dma_wait3A_163 = tpu.memref_slice %arg9[%add3A_154] : memref<4x!tpu.dma_semaphore, #tpu.memory_space<semaphore_mem>> -> memref<1x!tpu.dma_semaphore, #tpu.memory_space<semaphore_mem>>
    %dma_wait3A_164 = tpu.memref_squeeze %dma_wait3A_163 : memref<1x!tpu.dma_semaphore, #tpu.memory_space<semaphore_mem>> -> memref<!tpu.dma_semaphore, #tpu.memory_space<semaphore_mem>>
    %dma_wait3A_165 = arith.constant 0 : i32
    %dma_wait3A_166 = arith.constant 0 : i32
    %dma_wait3A_167 = tpu.memref_slice %arg4[%add3A_150, %dma_wait3A_165, %dma_wait3A_166] : memref<16384x200x64xf32, #tpu.memory_space<hbm>> -> memref<1x200x64xf32, #tpu.memory_space<hbm>>
    %dma_wait3A_168 = tpu.memref_squeeze %dma_wait3A_167 : memref<1x200x64xf32, #tpu.memory_space<hbm>> -> memref<200x64xf32, #tpu.memory_space<hbm>>
    %dma_wait3A_169 = arith.constant 200 : i32
    %dma_wait3A_170 = arith.constant 0 : i32
    %dma_wait3A_171 = tpu.memref_slice %arg7[%rem3A_144, %dma_wait3A_169, %dma_wait3A_170] : memref<2x400x64xf32, #tpu.memory_space<vmem>> -> memref<1x200x64xf32, #tpu.memory_space<vmem>>
    %dma_wait3A_172 = tpu.memref_squeeze %dma_wait3A_171 : memref<1x200x64xf32, #tpu.memory_space<vmem>> -> memref<200x64xf32, #tpu.memory_space<vmem>>
    tpu.wait_dma2 semaphore(%dma_wait3A_164 : memref<!tpu.dma_semaphore, #tpu.memory_space<semaphore_mem>>) src(%dma_wait3A_172 : memref<200x64xf32, #tpu.memory_space<vmem>>) dst(%dma_wait3A_168 : memref<200x64xf32, #tpu.memory_space<hbm>>)
    return
  }
}

</mosaic_0001>

<sc_bundles>
// kernel: _lookup.3.cloned.1.call-start
scs
__scs_entry_jumppad:
0x0: {  	(pc) =	sbr.rel $0x88, $3  }
0x1: {  	(tag) =	ssettag $0x0;
	lr =	simm.s32 $0x1  }
0x2: {  	[smem:$0x3F9F] =	sst lr;
	_ =	strace $0xD0000000  }
0x3: {  	_ = 	snop  }
0x4: {  	_ = 	snop  }
0x5: {  	_ = 	snop  }
0x6: {  	_ = 	snop  }
0x7: {  	_ = 	snop  }
__scs_overlays_trampoline_lowered:
0x8: {  	[smem:$0x3FAE] =	sst s0  }
0x9: {  	[smem:$0x3FAF] =	sst s1  }
0xa: {  	[smem:$0x3FB0] =	sst s2  }
0xb: {  	[smem:$0x3FB1] =	sst s3  }
0xc: {  	[smem:$0x3FB2] =	sst s4  }
0xd: {  	[smem:$0x3FB3] =	sst s5  }
0xe: {  	[smem:$0x3FB4] =	sst s6  }
0xf: {  	[smem:$0x3FB5] =	sst s7  }
0x10: {  	[smem:$0x3FB6] =	sst s8  }
0x11: {  	[smem:$0x3FB7] =	sst s9;
	s0 =	simm.s32 @!p0 $0x0  }
0x12: {  	s1 =	sld [smem:$0x3F9D];
	s0 =	simm.s32 @p0 $0x1  }
0x13: {  	[smem:$0x3FB8] =	sst s0;
	s0 =	simm.s32 @!p1 $0x0  }
0x14: {  	s2 =	sld [smem:$0x3F9C];
	s0 =	simm.s32 @p1 $0x1  }
0x15: {  	[smem:$0x3FB9] =	sst s0;
	s0 =	simm.s32 @!p2 $0x0  }
0x16: {  	s3 =	sld [smem:$0x3FDB];
	s0 =	simm.s32 @p2 $0x1  }
0x17: {  	s4 =	simm.s32 $0x1BF5;
	[smem:$0x3FBB] =	sst s0  }
0x18: {  	s0 =	sld [smem:$0x3F9E];
	_ =	swait.ge [sflag:s4], $0x0  }
0x19: {  	s7 =	sld [smem:$0x3F9F]  }
0x1a: {  	s8 =	sadd.s32 $0xFFFFE003, lr  }
0x1b: {  	s9 =	sadd.s32 $0xFFFFFEF7, lr;
	s5 =	simm.s32 $0xFFFFFFFF;
	p2 =	slt.u32 s8, $0xFFFFF086  }
0x1c: {  	p1 =	slt.u32 s9, $0xF7A;
	s5 =	simm.s32 @!p2 $0x0  }
0x1d: {  	s5 =	simm.s32 @p1 $0x1;
	p0 =	seq.s32 s7, s2  }
0x1e: {  	s7 =	smul.u32 @!p0 $0xF7A, s2;
	p2 =	seq.s32 @!p0 s5, $0x0  }
0x1f: {  	s9 =	smul.u32 $0xF7A, s1;
	s8 =	simm.s32 @!p0 $0x1BF5;
	p2 =	por !p2, p0  }
0x20: {  	[sflag:s8] =	ssyncset.s32 @!p0 $0xFFFFF086;
	s6 =	sadd.s32 @!p0 s3, s7;
	s7 =	simm.s32 @!p0 $0x108  }
0x21: {  	s3 =	sadd.s32 s3, s9;
	s6 =	sadd.s32 @!p0 $0x88, s6;
	s7 =	simm.s32 @p2 $0x1082  }
0x22: {  	[simem:s7], [sflag:s8] =	dma.local @!p0 [hbm:s6], $0xF7A  }
0x23: {  	s9 =	sor.u32 $0xD0000000, s2;
	s6 =	simm.s32 $0x108;
	_ =	swait.ge @!p0 [sflag:s8], $0x0  }
0x24: {  	s3 =	sadd.s32 $0x88, s3;
	s6 =	simm.s32 @!p1 $0x1082;
	[sflag:s4] =	ssyncset.s32 $0xFFFFF086  }
0x25: {  	[simem:s6], [sflag:s4] =	dma.local [hbm:s3], $0xF7A  }
0x26: {  	[smem:$0x3F9F] =	sst s1;
	(tag) =	ssettag s2;
	_ =	strace s9  }
0x27: {  	s1 =	sld [smem:$0x3FAF]  }
0x28: {  	s2 =	sld [smem:$0x3FB0]  }
0x29: {  	s4 =	sld [smem:$0x3FB2]  }
0x2a: {  	p0 =	seq.s32 s5, $0x0;
	s5 =	sld [smem:$0x3FB3]  }
0x2b: {  	s6 =	sld [smem:$0x3FB4]  }
0x2c: {  	s7 =	sld [smem:$0x3FB5]  }
0x2d: {  	s3 =	simm.s32 $0x108;
	s8 =	sld [smem:$0x3FB6]  }
0x2e: {  	s3 =	simm.s32 @!p0 $0x1082;
	s9 =	sld [smem:$0x3FB7]  }
0x2f: {  	lr =	sadd.s32 s0, s3;
	s0 =	sld [smem:$0x3FAE]  }
0x30: {  	s3 =	sld [smem:$0x3FB1]  }
0x31: {  	[smem:$0x3FBA] =	sst s10  }
0x32: {  	s10 =	sld [smem:$0x3FB8];
	_ =	sdelay $0x3  }
0x33: {  	p0 =	seq.s32 s10, $0x1;
	s10 =	sld [smem:$0x3FBA];
	_ =	sdelay $0x3  }
0x34: {  	[smem:$0x3FBA] =	sst s10  }
0x35: {  	s10 =	sld [smem:$0x3FB9];
	_ =	sdelay $0x3  }
0x36: {  	p1 =	seq.s32 s10, $0x1;
	s10 =	sld [smem:$0x3FBA];
	_ =	sdelay $0x3  }
0x37: {  	[smem:$0x3FBA] =	sst s10  }
0x38: {  	s10 =	sld [smem:$0x3FBB]  }
0x39: {  	_ = 	snop;
	(pc) =	sbr.ind lr, $3  }
0x3a: {  	_ = 	snop  }
0x3b: {  	_ = 	snop  }
0x3c: {  	p2 =	seq.s32 s10, $0x1;
	s10 =	sld [smem:$0x3FBA]  }
0x3d: {  	_ =	shalt  }
0x3e: {  	_ =	shalt  }
0x3f: {  	_ =	shalt  }
0x40: {  	_ =	shalt  }
0x41: {  	_ =	shalt  }
0x42: {  	_ =	shalt  }
0x43: {  	_ =	shalt  }
0x44: {  	_ =	shalt  }
0x45: {  	_ =	shalt  }
0x46: {  	_ =	shalt  }
0x47: {  	_ =	shalt  }
0x48: {  	_ =	shalt  }
0x49: {  	_ =	shalt  }
0x4a: {  	_ =	shalt  }
0x4b: {  	_ =	shalt  }
0x4c: {  	_ =	shalt  }
0x4d: {  	_ =	shalt  }
0x4e: {  	_ =	shalt  }
0x4f: {  	_ =	shalt  }
0x50: {  	_ =	shalt  }
0x51: {  	_ =	shalt  }
0x52: {  	_ =	shalt  }
0x53: {  	_ =	shalt  }
0x54: {  	_ =	shalt  }
0x55: {  	_ =	shalt  }
0x56: {  	_ =	shalt  }
0x57: {  	_ =	shalt  }
0x58: {  	_ =	shalt  }
0x59: {  	_ =	shalt  }
0x5a: {  	_ =	shalt  }
0x5b: {  	_ =	shalt  }
0x5c: {  	_ =	shalt  }
0x5d: {  	_ =	shalt  }
0x5e: {  	_ =	shalt  }
0x5f: {  	_ =	shalt  }
0x60: {  	_ =	shalt  }
0x61: {  	_ =	shalt  }
0x62: {  	_ =	shalt  }
0x63: {  	_ =	shalt  }
0x64: {  	_ =	shalt  }
0x65: {  	_ =	shalt  }
0x66: {  	_ =	shalt  }
0x67: {  	_ =	shalt  }
0x68: {  	_ =	shalt  }
0x69: {  	_ =	shalt  }
0x6a: {  	_ =	shalt  }
0x6b: {  	_ =	shalt  }
0x6c: {  	_ =	shalt  }
0x6d: {  	_ =	shalt  }
0x6e: {  	_ =	shalt  }
0x6f: {  	_ =	shalt  }
0x70: {  	_ =	shalt  }
0x71: {  	_ =	shalt  }
0x72: {  	_ =	shalt  }
0x73: {  	_ =	shalt  }
0x74: {  	_ =	shalt  }
0x75: {  	_ =	shalt  }
0x76: {  	_ =	shalt  }
0x77: {  	_ =	shalt  }
0x78: {  	_ =	shalt  }
0x79: {  	_ =	shalt  }
0x7a: {  	_ =	shalt  }
0x7b: {  	_ =	shalt  }
0x7c: {  	_ =	shalt  }
0x7d: {  	_ =	shalt  }
0x7e: {  	_ =	shalt  }
0x7f: {  	_ =	shalt  }
0x80: {  	_ =	shalt  }
0x81: {  	_ =	shalt  }
0x82: {  	_ =	shalt  }
0x83: {  	_ =	shalt  }
0x84: {  	_ =	shalt  }
0x85: {  	_ =	shalt  }
0x86: {  	_ =	shalt  }
0x87: {  	_ =	shalt  }
.Lfunc_end0:
.L_simem_size_0:
called_computation_lowered:
.L_overlay_start_0:
0x88: {  	s2 =	sld [smem:$0x3FD9]  }
0x89: {  	s3 =	sld [smem:$0x3FFE];
	_ =	sdelay $0x1  }
0x8a: {  	s1 =	srdreg.scid  }
0x8b: {  	s0 =	sand.u32 $0x1, s1  }
0x8c: {  	s17 =	sshll.u32 s0, $0xA;
	s2 =	sadd.s32 s3, s2  }
0x8d: {  	s2 =	sadd.s32 s2, s17  }
0x8e: {  	[smem:$0x3FC6] =	sst s2  }
0x8f: {  	_ = 	snop  }
0x90: {  	s2 =	sld [smem:$0x3FC9]  }
0x91: {  	s18 =	sld [smem:$0x3FC8];
	(tm) =	ssettm $0x1  }
0x92: {  	s4 =	sld [smem:$0x3FFB];
	_ =	sdelay $0x3  }
0x93: {  	_ =	strace s4  }
0x94: {  	s4 =	sld [smem:$0x3FFC];
	_ =	sdelay $0x3  }
0x95: {  	_ =	strace s4  }
0x96: {  	s4 =	sld [smem:$0x3FFD];
	_ =	sdelay $0x3  }
0x97: {  	_ =	strace s4  }
0x98: {  	_ =	strace $0x8FFFFFFF  }
0x99: {  	s19 =	sld [smem:$0x3FDB];
	_ =	sdelay $0x1  }
0x9a: {  	s5 =	simm.s32 $_scs_section_size  }
0x9b: {  	s6 =	simm.s32 $_size__tile_overlayer_lowered;
	s7 =	simm.s32 $_tile_overlayer_lowered  }
0x9c: {  	s22 =	simm.s32 $0x1BFF;
	s21 =	sshll.u32 s7, $0x1;
	s4 =	sadd.s32 s5, s19  }
0x9d: {  	s8 =	simm.s32 $0x0;
	s20 =	sshll.u32 s6, $0x1;
	s6 =	sadd.s32 s21, s4  }
0x9e: {  	[timem:s8], [sflag:s22] =	dma.local [hbm:s6], s20  }
0x9f: {  	_ =	swait.ge [sflag:s22], s20  }
0xa0: {  	s5 =	ssub.s32 $0x0, s20;
	[sflag:s22] =	ssyncset.done $0x0  }
0xa1: {  	[sflag:s22] =	ssyncadd.s32 s5;
	_ =	sdelay $0x1  }
0xa2: {  	s23 =	simm.s32 $0x1B8B  }
0xa3: {  	_ =	swait.ge [sflag:s23], $0x1  }
0xa4: {  	[sflag:s23] =	ssyncset.done $0x0  }
0xa5: {  	s25 =	simm.s32 $0x1B8E;
	s24 =	sld [smem:$0x3FFE];
	[sflag:s23] =	ssyncadd.s32 $0xFFFFFFFF  }
0xa6: {  	s26 =	simm.s32 $execute0_lowered;
	[smem:$0x3FD2] =	sst s25  }
0xa7: {  	s6 =	sshll.u32 s26, $0x1;
	_ =	strace $0x80000046;
	[dreg:$0x1] =	wrdreg $0xFFFFFFFF  }
0xa8: {  	s28 =	simm.s32 $_size_execute0_lowered;
	s4 =	sadd.s32 s4, s6;
	[dreg:$0x0] =	wrdreg $0x0  }
0xa9: {  	s6 =	sshll.u32 s28, $0x1;
	[dreg:$0x2] =	wrdreg s4  }
0xaa: {  	[dreg:$0x3] =	wrdreg s6  }
0xab: {  	[dreg:$0x4] =	wrdreg $0xC0  }
0xac: {  	_ =	task [dreg:s8], $0x5FFFF  }
0xad: {  	[dreg:$0x1] =	wrdreg $0xFFFFFFFF  }
0xae: {  	[dreg:$0x0] =	wrdreg $0x60  }
0xaf: {  	[dreg:$0x2] =	wrdreg s2  }
0xb0: {  	[dreg:$0x3] =	wrdreg s18  }
0xb1: {  	[dreg:$0x4] =	wrdreg s24  }
0xb2: {  	[dreg:$0x5] =	wrdreg $0x9  }
0xb3: {  	_ =	task.clear_ibuf [dreg:s8], $0x6FFFF;
	_ =	strace $0x90000046  }
0xb4: {  	s29 =	simm.s32 $0x9;
	_ =	strace $0x80000048  }
0xb5: {  	_ =	swait.ge [sflag:s29], $0x1  }
0xb6: {  	[sflag:s29] =	ssyncadd.s32 $0xFFFFFFFF  }
0xb7: {  	_ =	strace $0x90000048  }
0xb8: {  	_ =	sfence  }
0xb9: {  	s30 =	sld [smem:$0x0];
	_ =	sdelay $0x2  }
0xba: {  	s31 =	sshll.u32 s1, $0xD;
	s1 =	sshrl.u32 s1, $0x2  }
0xbb: {  	s3 =	sand.u32 $0x4000, s31;
	s1 =	sadd.s32 s1, s30  }
0xbc: {  	s0 =	sor.u32 s3, s0;
	s1 =	sshll.u32 s1, $0x11  }
0xbd: {  	s0 =	sor.u32 s1, s0  }
0xbe: {  	s0 =	sadd.s32 $0x8F2B, s0  }
0xbf: {  	[sflag:s0] =	ssyncadd.remote.s32 $0x1  }
0xc0: {  	_ =	sfence.sel $0xFFFF  }
0xc1: {  	[dreg:$0x0] =	wrdreg $0xFFFFFFFF;
	(pc) =	sbr.abs _section_cstart, $3  }
0xc2: {  	[dreg:$0x1] =	wrdreg $0xFFFFFFFF  }
0xc3: {  	_ =	task.clear_ibuf [dreg:s8], $0x2FFFF;
	_ =	strace $0x9FFFFFFF  }
0xc4: {  	(tm) =	ssettm $0x7FFFFFFF  }
0xc5: {  	_ =	shalt  }
tec
execute0_lowered:
.L_overlay_start_1:
0x0: {  	(tag) =	ssettag $0x1  }
0x1: {  	s0 =	rddreg [dreg:$0x0]  }
0x2: {  	s3 =	rddreg [dreg:$0x1]  }
0x3: {  	s1 =	srdreg.scid;
	s6 =	rddreg [dreg:$0x2]  }
0x4: {  	s2 =	stileid.u32;
	s4 =	simm.s32 $0x0;
	s10 =	simm.s32 $0x6  }
0x5: {  	s11 =	simm.s32 $0x1;
	s12 =	simm.s32 $0x4;
	s13 =	simm.s32 $0x5  }
0x6: {  	s14 =	simm.s32 $0x2;
	s15 =	simm.s32 $0x3;
	s5 =	sand.u32 $0x1, s1  }
0x7: {  	s16 =	simm.s32 $0x0;
	s1 =	rddreg [dreg:$0x3];
	s7 =	sshll.u32 s5, $0x4  }
0x8: {  	[smem:$0x7FF] =	sst s4;
	s8 =	ssub.s32 $0x2, s5;
	s7 =	sor.u32 s2, s7  }
0x9: {  	_ =	strace $0x80000047;
	s31 =	sshrl.u32 s8, $0x1;
	s9 =	smul.u32 $0x3200, s7  }
0xa: {  	s5 =	sadd.s32 $0x400, s6;
	s8 =	ssub.s32 s8, s31;
	s7 =	sshll.u32 s7, $0x9  }
0xb: {  	s8 =	smax.u32 s8, $0x1;
	s6 =	sadd.s32 s0, s9;
	s9 =	simm.s32 $0x380  }
.LBB2_1:
0xc: {  	[tilespmem:s9], [sflag:$0x6] =	stream.linear.gather [hbm4b:s3+s4], $0x100, $0x38;
	[tilespmem:$0x19480] =	vst v63  }
0xd: {  	_ =	swait.ge [sflag:s10], $0x100  }
0xe: {  	[sflag:s10] =	ssyncset.done $0x0  }
0xf: {  	[sflag:s10] =	ssyncadd.s32 $0xFFFFFF00  }
0x10: {  	v0 =	vld [tilespmem:$0x380]  }
0x11: {  	v1 =	vld [tilespmem:$0x390]  }
0x12: {  	v2 =	vld [tilespmem:$0x3A0]  }
0x13: {  	v3 =	vld [tilespmem:$0x3B0]  }
0x14: {  	v4 =	vld [tilespmem:$0x400]  }
0x15: {  	v5 =	vld [tilespmem:$0x410]  }
0x16: {  	v6 =	vld [tilespmem:$0x420]  }
0x17: {  	v7 =	vld [tilespmem:$0x430];
	_ =	sdelay $0x3  }
0x18: {  	p0 =	por $0x0, $0x0;
	s17 =	simm.s32 $0x0;
	v4 =	vsub.f32 v4, v0;
	v5 =	vsub.f32 v5, v1  }
0x19: {  	[tilespmem:s4], [sflag:$0x1] =	stream.linear.gather [hbm4b:s6+s4], $0x190, $0x38;
	v6 =	vsub.f32 v6, v2;
	v7 =	vsub.f32 v7, v3;
	[tilespmem:$0x19480] =	vst v63  }
.LBB2_2:
0x1a: {  	s19 =	smov.u32 s17  }
0x1b: {  	s18 =	sand.u32 $0x1, s17;
	s17 =	sadd.s32 $0x1, s17;
	p1 =	seq.s32 s19, $0xFF  }
0x1c: {  	s20 =	sxor.u32 @!p1 $0x1, s18;
	s21 =	sshll.u32 @!p1 s17, $0x1  }
0x1d: {  	_ =	swait.ge [sflag:s11], $0x190;
	s20 =	smul.u32 @!p1 $0x640, s20;
	s21 =	sadd.s32 @!p1 s7, s21  }
0x1e: {  	[sflag:s11] =	ssyncset.done $0x0;
	s21 =	smul.u32 @!p1 $0x19, s21  }
0x1f: {  	[sflag:s11] =	ssyncadd.s32 $0xFFFFFE70;
	s22 =	simm.s32 @!p1 $0x0  }
0x20: {  	p2 =	slt.u32 @!p1 s19, $0x2;
	s20 =	sshrl.u32 @!p1 s20, $0x2;
	s21 =	sadd.s32 @!p1 s0, s21  }
0x21: {  	[tilespmem:s20], [sflag:$0x1] =	stream.linear.gather @!p1 [hbm4b:s21+s22], $0x190, $0x38;
	[tilespmem:$0x19480] =	vst v63  }
0x22: {  	s19 =	sshll.u32 s19, $0x1;
	p1 =	por p1, !p2  }
0x23: {  	s20 =	sand.u32 @p1 $0x2, s19  }
0x24: {  	s21 =	sadd.s32 @p1 $0x2, s20  }
0x25: {  	_ =	swait.ge @p1 [sflag:s21], $0x6400  }
0x26: {  	[sflag:s21] =	ssyncset.done @p1 $0x0  }
0x27: {  	s20 =	sadd.s32 @p1 $0x3, s20;
	[sflag:s21] =	ssyncadd.s32 @p1 $0xFFFF9C00  }
0x28: {  	_ =	swait.ge @p1 [sflag:s20], $0x6400  }
0x29: {  	[sflag:s20] =	ssyncset.done @p1 $0x0  }
0x2a: {  	[sflag:s20] =	ssyncadd.s32 @p1 $0xFFFF9C00;
	s20 =	simm.s32 $0x1  }
0x2b: {  	s20 =	simm.s32 @!p0 $0x0  }
0x2c: {  	s29 =	smul.u32 $0x640, s20;
	_ =	sdelay $0x1  }
0x2d: {  	s21 =	sshrl.u32 s29, $0x2  }
0x2e: {  	v8 =	vmov s21;
	_ =	sdelay $0x3  }
0x2f: {  	s30 =	simm.s32 $0x0  }
0x30: {  	v9 =	vld.idx.msk [tilespmem:v8+s30+$0x0 ss:$0x1], $0xffff;
	_ =	sdelay $0x4  }
0x31: {  	v9 =	vcvt.s32.f32 v9;
	_ =	sdelay $0x1  }
0x32: {  	v10 =	vbroadcast v9, $0x0;
	_ =	sdelay $0x1  }
0x33: {  	s20 =	smul.u32 $0x32000, s20;
	v11 =	vmul.f32 v10, v4  }
0x34: {  	v12 =	vmul.f32 v10, v5  }
0x35: {  	s20 =	sshrl.u32 s20, $0x2;
	v13 =	vbroadcast v9, $0x1;
	v14 =	vmul.f32 v10, v6;
	v11 =	vadd.f32 v11, v0  }
0x36: {  	s22 =	sadd.s32 $0x880, s20;
	v10 =	vmul.f32 v10, v7;
	v12 =	vadd.f32 v12, v1  }
0x37: {  	v56 =	vbroadcast v9, $0x2;
	v15 =	vmul.f32 v13, v4;
	v14 =	vadd.f32 v14, v2;
	[tilespmem:s22+$0xFFFFFC00] =	vst v11  }
0x38: {  	v16 =	vmul.f32 v13, v6;
	v10 =	vadd.f32 v10, v3;
	[tilespmem:s22+$0xFFFFFC10] =	vst v12  }
0x39: {  	v31 =	vbroadcast v9, $0x7;
	v58 =	vmul.f32 v56, v5;
	v15 =	vadd.f32 v15, v0;
	[tilespmem:s22+$0xFFFFFC20] =	vst v14  }
0x3a: {  	v20 =	vbroadcast v9, $0x4;
	v59 =	vmul.f32 v56, v6;
	v57 =	vadd.f32 v16, v2;
	[tilespmem:s22+$0xFFFFFC30] =	vst v10  }
0x3b: {  	v35 =	vmul.f32 v31, v6;
	v60 =	vadd.f32 v58, v1;
	[tilespmem:s22+$0xFFFFFC80] =	vst v15  }
0x3c: {  	v23 =	vmul.f32 v20, v5;
	v61 =	vadd.f32 v59, v2;
	[tilespmem:s22+$0xFFFFFCA0] =	vst v57  }
0x3d: {  	v37 =	vadd.f32 v35, v2;
	v11 =	vmul.f32 v13, v5;
	[tilespmem:s22+$0xFFFFFD10] =	vst v60  }
0x3e: {  	v13 =	vmul.f32 v13, v7;
	[tilespmem:s22+$0xFFFFFD20] =	vst v61;
	v14 =	vadd.f32 v23, v1  }
0x3f: {  	v28 =	vbroadcast v9, $0x6;
	v10 =	vmul.f32 v56, v4;
	[tilespmem:s22+$0xFFFFFFA0] =	vst v37;
	v11 =	vadd.f32 v11, v1  }
0x40: {  	v12 =	vmul.f32 v56, v7;
	v13 =	vadd.f32 v13, v3;
	[tilespmem:s22+$0xFFFFFE10] =	vst v14  }
0x41: {  	v30 =	vmul.f32 v28, v4;
	v10 =	vadd.f32 v10, v0;
	[tilespmem:s22+$0xFFFFFC90] =	vst v11  }
0x42: {  	v22 =	vmul.f32 v20, v4;
	v12 =	vadd.f32 v12, v3;
	[tilespmem:s22+$0xFFFFFCB0] =	vst v13  }
0x43: {  	v25 =	vmul.f32 v20, v7;
	v14 =	vadd.f32 v30, v0;
	[tilespmem:s22+$0xFFFFFD00] =	vst v10  }
0x44: {  	v39 =	vbroadcast v9, $0x9;
	v34 =	vmul.f32 v31, v5;
	[tilespmem:s22+$0xFFFFFD30] =	vst v12;
	v13 =	vadd.f32 v22, v0  }
0x45: {  	v33 =	vmul.f32 v28, v7;
	v11 =	vbroadcast v9, $0x3;
	v12 =	vadd.f32 v25, v3;
	[tilespmem:s22+$0xFFFFFF00] =	vst v14  }
0x46: {  	v41 =	vmul.f32 v39, v4;
	v14 =	vadd.f32 v34, v1;
	[tilespmem:s22+$0xFFFFFE00] =	vst v13  }
0x47: {  	v10 =	vmul.f32 v11, v5;
	[tilespmem:s22+$0xFFFFFE30] =	vst v12;
	v12 =	vadd.f32 v33, v3  }
0x48: {  	v62 =	vmul.f32 v11, v4;
	[tilespmem:s22+$0xFFFFFF90] =	vst v14;
	v14 =	vadd.f32 v41, v0  }
0x49: {  	v63 =	vmul.f32 v11, v6;
	v11 =	vmul.f32 v11, v7;
	v10 =	vadd.f32 v10, v1;
	[tilespmem:s22+$0xFFFFFF30] =	vst v12  }
0x4a: {  	v24 =	vmul.f32 v20, v6;
	v15 =	vadd.f32 v62, v0;
	[tilespmem:s22+$0x80] =	vst v14  }
0x4b: {  	v11 =	vadd.f32 v11, v3;
	[tilespmem:s22+$0xFFFFFD90] =	vst v10;
	v10 =	vbroadcast v9, $0x5  }
0x4c: {  	v32 =	vmul.f32 v28, v6;
	[tilespmem:s22+$0xFFFFFD80] =	vst v15;
	v15 =	vadd.f32 v24, v2  }
0x4d: {  	v21 =	vadd.f32 v63, v2;
	[tilespmem:s22+$0xFFFFFDB0] =	vst v11;
	v11 =	vmul.f32 v10, v4  }
0x4e: {  	v26 =	vmul.f32 v10, v5;
	[tilespmem:s22+$0xFFFFFE20] =	vst v15;
	v15 =	vadd.f32 v32, v2  }
0x4f: {  	[tilespmem:s22+$0xFFFFFDA0] =	vst v21;
	v27 =	vmul.f32 v10, v6;
	v11 =	vadd.f32 v11, v0  }
0x50: {  	v50 =	vbroadcast v9, $0xC;
	v43 =	vmul.f32 v39, v6;
	v13 =	vadd.f32 v26, v1;
	[tilespmem:s22+$0xFFFFFF20] =	vst v15  }
0x51: {  	v10 =	vmul.f32 v10, v7;
	v29 =	vadd.f32 v27, v2;
	[tilespmem:s22+$0xFFFFFE80] =	vst v11  }
0x52: {  	v52 =	vmul.f32 v50, v4;
	v15 =	vadd.f32 v43, v2;
	[tilespmem:s22+$0xFFFFFE90] =	vst v13  }
0x53: {  	v10 =	vadd.f32 v10, v3;
	v11 =	vmul.f32 v28, v5;
	[tilespmem:s22+$0xFFFFFEA0] =	vst v29  }
0x54: {  	v13 =	vmul.f32 v31, v7;
	[tilespmem:s22+$0xA0] =	vst v15;
	v15 =	vadd.f32 v52, v0  }
0x55: {  	v54 =	vbroadcast v9, $0xD;
	[tilespmem:s22+$0xFFFFFEB0] =	vst v10;
	v10 =	vmul.f32 v31, v4;
	v11 =	vadd.f32 v11, v1  }
0x56: {  	v46 =	vbroadcast v9, $0xB;
	v44 =	vmul.f32 v39, v7;
	v13 =	vadd.f32 v13, v3;
	[tilespmem:s22+$0x200] =	vst v15  }
0x57: {  	v58 =	vmul.f32 v54, v6;
	v10 =	vadd.f32 v10, v0;
	[tilespmem:s22+$0xFFFFFF10] =	vst v11;
	v11 =	vbroadcast v9, $0x8  }
0x58: {  	v48 =	vmul.f32 v46, v4;
	[tilespmem:s22+$0xFFFFFFB0] =	vst v13;
	v13 =	vadd.f32 v44, v3  }
0x59: {  	v15 =	vadd.f32 v58, v2;
	[tilespmem:s22+$0xFFFFFF80] =	vst v10;
	v10 =	vmul.f32 v11, v5  }
0x5a: {  	v36 =	vmul.f32 v11, v4;
	[tilespmem:s22+$0xB0] =	vst v13;
	v13 =	vadd.f32 v48, v0  }
0x5b: {  	[tilespmem:s22+$0x2A0] =	vst v15;
	v38 =	vmul.f32 v11, v6;
	v11 =	vmul.f32 v11, v7;
	v10 =	vadd.f32 v10, v1  }
0x5c: {  	v12 =	vadd.f32 v36, v0;
	[tilespmem:s22+$0x180] =	vst v13  }
0x5d: {  	v53 =	vmul.f32 v50, v5;
	v11 =	vadd.f32 v11, v3;
	[tilespmem:s22+$0x10] =	vst v10;
	v10 =	vbroadcast v9, $0xA  }
0x5e: {  	v42 =	vmul.f32 v39, v5;
	v40 =	vadd.f32 v38, v2;
	[tilespmem:s22+$0x0] =	vst v12  }
0x5f: {  	v13 =	vadd.f32 v53, v1;
	[tilespmem:s22+$0x30] =	vst v11;
	v11 =	vmul.f32 v10, v4  }
0x60: {  	v57 =	vbroadcast v9, $0xE;
	[tilespmem:s22+$0x20] =	vst v40;
	v12 =	vadd.f32 v42, v1;
	v45 =	vmul.f32 v10, v5  }
0x61: {  	[tilespmem:s22+$0x210] =	vst v13;
	v9 =	vbroadcast v9, $0xF;
	v47 =	vmul.f32 v10, v6;
	v11 =	vadd.f32 v11, v0  }
0x62: {  	[tilespmem:s22+$0x90] =	vst v12;
	v10 =	vmul.f32 v10, v7;
	v12 =	vmul.f32 v46, v7;
	v14 =	vadd.f32 v45, v1  }
0x63: {  	v61 =	vmul.f32 v9, v4;
	v62 =	vmul.f32 v9, v5;
	v49 =	vadd.f32 v47, v2;
	[tilespmem:s22+$0x100] =	vst v11  }
0x64: {  	v63 =	vmul.f32 v9, v6;
	v9 =	vmul.f32 v9, v7;
	v10 =	vadd.f32 v10, v3;
	[tilespmem:s22+$0x110] =	vst v14  }
0x65: {  	v51 =	vmul.f32 v46, v6;
	v12 =	vadd.f32 v12, v3;
	[tilespmem:s22+$0x120] =	vst v49  }
0x66: {  	v9 =	vadd.f32 v9, v3;
	v11 =	vmul.f32 v46, v5;
	[tilespmem:s22+$0x130] =	vst v10  }
0x67: {  	v55 =	vmul.f32 v54, v4;
	v10 =	vadd.f32 v51, v2;
	[tilespmem:s22+$0x1B0] =	vst v12  }
0x68: {  	v56 =	vmul.f32 v54, v5;
	[tilespmem:s22+$0x3B0] =	vst v9;
	v11 =	vadd.f32 v11, v1  }
0x69: {  	v12 =	vadd.f32 v55, v0;
	[tilespmem:s22+$0x1A0] =	vst v10;
	v10 =	vmul.f32 v50, v7  }
0x6a: {  	v14 =	vadd.f32 v56, v1;
	[tilespmem:s22+$0x190] =	vst v11;
	v11 =	vmul.f32 v50, v6  }
0x6b: {  	v59 =	vmul.f32 v57, v5;
	[tilespmem:s22+$0x280] =	vst v12;
	v10 =	vadd.f32 v10, v3  }
0x6c: {  	[tilespmem:s22+$0x290] =	vst v14;
	v11 =	vadd.f32 v11, v2  }
0x6d: {  	v12 =	vadd.f32 v59, v1;
	[tilespmem:s22+$0x230] =	vst v10;
	v10 =	vmul.f32 v57, v4  }
0x6e: {  	v14 =	vadd.f32 v61, v0;
	[tilespmem:s22+$0x220] =	vst v11;
	v11 =	vmul.f32 v54, v7  }
0x6f: {  	v13 =	vmul.f32 v57, v7;
	[tilespmem:s22+$0x310] =	vst v12;
	v10 =	vadd.f32 v10, v0  }
0x70: {  	v60 =	vmul.f32 v57, v6;
	[tilespmem:s22+$0x380] =	vst v14;
	v11 =	vadd.f32 v11, v3  }
0x71: {  	[tilespmem:s22+$0x300] =	vst v10;
	v10 =	vadd.f32 v13, v3  }
0x72: {  	[tilespmem:s22+$0x2B0] =	vst v11;
	v11 =	vadd.f32 v60, v2  }
0x73: {  	s31 =	smul.u32 $0x32000, s18;
	[tilespmem:s22+$0x330] =	vst v10;
	v10 =	vadd.f32 v63, v2  }
0x74: {  	[tilespmem:s22+$0x320] =	vst v11;
	v11 =	vadd.f32 v62, v1  }
0x75: {  	s20 =	sor.u32 s7, s19;
	s19 =	sshrl.u32 s31, $0x2;
	[tilespmem:s22+$0x3A0] =	vst v10  }
0x76: {  	s24 =	simm.s32 $0x10;
	s23 =	simm.s32 $0x80;
	s21 =	sor.u32 $0x480, s19;
	[tilespmem:s22+$0x390] =	vst v11  }
.LBB2_3:
0x77: {  	p1 =	sne.s32 s23, $0x600;
	v9 =	vld.idx.msk [tilespmem:v8+s24+$0x0 ss:$0x1], $0xffff;
	_ =	sdelay $0x5  }
0x78: {  	v9 =	vcvt.s32.f32 v9;
	_ =	sdelay $0x1  }
0x79: {  	v10 =	vbroadcast v9, $0x0;
	v11 =	vbroadcast v9, $0x1  }
0x7a: {  	v12 =	vbroadcast v9, $0x2;
	v13 =	vbroadcast v9, $0x3  }
0x7b: {  	v14 =	vmul.f32 v10, v4;
	v15 =	vmul.f32 v10, v5  }
0x7c: {  	v16 =	vmul.f32 v10, v6;
	v10 =	vmul.f32 v10, v7  }
0x7d: {  	v17 =	vmul.f32 v11, v4;
	v14 =	vadd.f32 v14, v0;
	v15 =	vadd.f32 v15, v1  }
0x7e: {  	s22 =	sadd.s32 $0x800, s22;
	v18 =	vmul.f32 v11, v5;
	v16 =	vadd.f32 v16, v2;
	v10 =	vadd.f32 v10, v3  }
0x7f: {  	[tilespmem:s22+$0xFFFFFC00] =	vst v14;
	v14 =	vadd.f32 v17, v0;
	v17 =	vmul.f32 v11, v6;
	v11 =	vmul.f32 v11, v7  }
0x80: {  	v19 =	vmul.f32 v12, v5;
	[tilespmem:s22+$0xFFFFFC10] =	vst v15;
	v15 =	vadd.f32 v18, v1;
	v18 =	vmul.f32 v12, v4  }
0x81: {  	[tilespmem:s22+$0xFFFFFC20] =	vst v16;
	v16 =	vadd.f32 v17, v2;
	v11 =	vadd.f32 v11, v3;
	v17 =	vmul.f32 v12, v6  }
0x82: {  	v12 =	vmul.f32 v12, v7;
	[tilespmem:s22+$0xFFFFFC30] =	vst v10;
	v10 =	vadd.f32 v18, v0;
	v18 =	vadd.f32 v19, v1  }
0x83: {  	v19 =	vmul.f32 v13, v5;
	[tilespmem:s22+$0xFFFFFC80] =	vst v14;
	v14 =	vadd.f32 v17, v2;
	v17 =	vmul.f32 v13, v4  }
0x84: {  	v12 =	vadd.f32 v12, v3;
	[tilespmem:s22+$0xFFFFFC90] =	vst v15;
	v15 =	vmul.f32 v13, v6;
	v13 =	vmul.f32 v13, v7  }
0x85: {  	[tilespmem:s22+$0xFFFFFCA0] =	vst v16;
	v16 =	vadd.f32 v17, v0;
	v17 =	vadd.f32 v19, v1;
	v19 =	vbroadcast v9, $0x4  }
0x86: {  	[tilespmem:s22+$0xFFFFFCB0] =	vst v11;
	v11 =	vadd.f32 v15, v2;
	v13 =	vadd.f32 v13, v3;
	v15 =	vbroadcast v9, $0x5  }
0x87: {  	[tilespmem:s22+$0xFFFFFD00] =	vst v10;
	v10 =	vmul.f32 v19, v4;
	v20 =	vmul.f32 v19, v5  }
0x88: {  	[tilespmem:s22+$0xFFFFFD10] =	vst v18;
	v18 =	vmul.f32 v19, v6;
	v19 =	vmul.f32 v19, v7  }
0x89: {  	[tilespmem:s22+$0xFFFFFD20] =	vst v14;
	v10 =	vadd.f32 v10, v0;
	v14 =	vadd.f32 v20, v1;
	v20 =	vmul.f32 v15, v4  }
0x8a: {  	[tilespmem:s22+$0xFFFFFD30] =	vst v12;
	v12 =	vadd.f32 v18, v2;
	v18 =	vadd.f32 v19, v3;
	v19 =	vmul.f32 v15, v5  }
0x8b: {  	[tilespmem:s22+$0xFFFFFD80] =	vst v16;
	v16 =	vadd.f32 v20, v0;
	v20 =	vmul.f32 v15, v6;
	v15 =	vmul.f32 v15, v7  }
0x8c: {  	v21 =	vbroadcast v9, $0x7;
	[tilespmem:s22+$0xFFFFFD90] =	vst v17;
	v17 =	vadd.f32 v19, v1;
	v19 =	vbroadcast v9, $0x6  }
0x8d: {  	[tilespmem:s22+$0xFFFFFDA0] =	vst v11;
	v11 =	vadd.f32 v20, v2;
	v15 =	vadd.f32 v15, v3;
	v20 =	vbroadcast v9, $0x8  }
0x8e: {  	[tilespmem:s22+$0xFFFFFDB0] =	vst v13;
	v13 =	vmul.f32 v19, v4;
	v22 =	vmul.f32 v19, v5  }
0x8f: {  	[tilespmem:s22+$0xFFFFFE00] =	vst v10;
	v10 =	vmul.f32 v19, v6;
	v19 =	vmul.f32 v19, v7  }
0x90: {  	[tilespmem:s22+$0xFFFFFE10] =	vst v14;
	v13 =	vadd.f32 v13, v0;
	v14 =	vadd.f32 v22, v1;
	v22 =	vmul.f32 v21, v4  }
0x91: {  	[tilespmem:s22+$0xFFFFFE20] =	vst v12;
	v10 =	vadd.f32 v10, v2;
	v12 =	vadd.f32 v19, v3;
	v19 =	vmul.f32 v21, v5  }
0x92: {  	[tilespmem:s22+$0xFFFFFE30] =	vst v18;
	v18 =	vadd.f32 v22, v0;
	v22 =	vmul.f32 v21, v6;
	v21 =	vmul.f32 v21, v7  }
0x93: {  	v23 =	vmul.f32 v20, v5;
	[tilespmem:s22+$0xFFFFFE80] =	vst v16;
	v16 =	vadd.f32 v19, v1;
	v19 =	vmul.f32 v20, v4  }
0x94: {  	[tilespmem:s22+$0xFFFFFE90] =	vst v17;
	v17 =	vadd.f32 v22, v2;
	v21 =	vadd.f32 v21, v3;
	v22 =	vmul.f32 v20, v6  }
0x95: {  	v20 =	vmul.f32 v20, v7;
	[tilespmem:s22+$0xFFFFFEA0] =	vst v11;
	v11 =	vadd.f32 v19, v0;
	v19 =	vadd.f32 v23, v1  }
0x96: {  	v23 =	vbroadcast v9, $0xA;
	[tilespmem:s22+$0xFFFFFEB0] =	vst v15;
	v15 =	vadd.f32 v22, v2;
	v22 =	vbroadcast v9, $0x9  }
0x97: {  	v24 =	vbroadcast v9, $0xC;
	[tilespmem:s22+$0xFFFFFF00] =	vst v13;
	v13 =	vadd.f32 v20, v3;
	v20 =	vbroadcast v9, $0xB  }
0x98: {  	[tilespmem:s22+$0xFFFFFF10] =	vst v14;
	v14 =	vmul.f32 v22, v4;
	v25 =	vmul.f32 v22, v5  }
0x99: {  	[tilespmem:s22+$0xFFFFFF20] =	vst v10;
	v10 =	vmul.f32 v22, v6;
	v22 =	vmul.f32 v22, v7  }
0x9a: {  	[tilespmem:s22+$0xFFFFFF30] =	vst v12;
	v12 =	vadd.f32 v14, v0;
	v14 =	vadd.f32 v25, v1;
	v25 =	vmul.f32 v23, v4  }
0x9b: {  	[tilespmem:s22+$0xFFFFFF80] =	vst v18;
	v10 =	vadd.f32 v10, v2;
	v18 =	vadd.f32 v22, v3;
	v22 =	vmul.f32 v23, v5  }
0x9c: {  	[tilespmem:s22+$0xFFFFFF90] =	vst v16;
	v16 =	vadd.f32 v25, v0;
	v25 =	vmul.f32 v23, v6;
	v23 =	vmul.f32 v23, v7  }
0x9d: {  	v26 =	vmul.f32 v20, v5;
	[tilespmem:s22+$0xFFFFFFA0] =	vst v17;
	v17 =	vadd.f32 v22, v1;
	v22 =	vmul.f32 v20, v4  }
0x9e: {  	[tilespmem:s22+$0xFFFFFFB0] =	vst v21;
	v21 =	vadd.f32 v25, v2;
	v23 =	vadd.f32 v23, v3;
	v25 =	vmul.f32 v20, v6  }
0x9f: {  	v20 =	vmul.f32 v20, v7;
	[tilespmem:s22+$0x0] =	vst v11;
	v11 =	vadd.f32 v22, v0;
	v22 =	vadd.f32 v26, v1  }
0xa0: {  	v26 =	vmul.f32 v24, v5;
	[tilespmem:s22+$0x10] =	vst v19;
	v19 =	vadd.f32 v25, v2;
	v25 =	vmul.f32 v24, v4  }
0xa1: {  	[tilespmem:s22+$0x20] =	vst v15;
	v15 =	vadd.f32 v20, v3;
	v20 =	vmul.f32 v24, v6;
	v24 =	vmul.f32 v24, v7  }
0xa2: {  	[tilespmem:s22+$0x30] =	vst v13;
	v13 =	vadd.f32 v25, v0;
	v25 =	vadd.f32 v26, v1;
	v26 =	vbroadcast v9, $0xD  }
0xa3: {  	[tilespmem:s22+$0x80] =	vst v12;
	v12 =	vadd.f32 v20, v2;
	v20 =	vadd.f32 v24, v3;
	v24 =	vbroadcast v9, $0xE  }
0xa4: {  	[tilespmem:s22+$0x90] =	vst v14;
	v14 =	vmul.f32 v26, v4;
	v27 =	vmul.f32 v26, v5  }
0xa5: {  	[tilespmem:s22+$0xA0] =	vst v10;
	v10 =	vmul.f32 v26, v6;
	v26 =	vmul.f32 v26, v7  }
0xa6: {  	[tilespmem:s22+$0xB0] =	vst v18;
	v14 =	vadd.f32 v14, v0;
	v18 =	vadd.f32 v27, v1;
	v27 =	vmul.f32 v24, v4  }
0xa7: {  	[tilespmem:s22+$0x100] =	vst v16;
	v10 =	vadd.f32 v10, v2;
	v16 =	vadd.f32 v26, v3;
	v26 =	vmul.f32 v24, v5  }
0xa8: {  	[tilespmem:s22+$0x110] =	vst v17;
	v17 =	vadd.f32 v27, v0;
	v27 =	vmul.f32 v24, v6;
	v24 =	vmul.f32 v24, v7  }
0xa9: {  	v9 =	vbroadcast v9, $0xF;
	[tilespmem:s22+$0x120] =	vst v21;
	v21 =	vadd.f32 v26, v1  }
0xaa: {  	[tilespmem:s22+$0x130] =	vst v23;
	v23 =	vadd.f32 v27, v2;
	v24 =	vadd.f32 v24, v3  }
0xab: {  	v26 =	vmul.f32 v9, v5;
	[tilespmem:s22+$0x180] =	vst v11;
	v11 =	vmul.f32 v9, v4  }
0xac: {  	[tilespmem:s22+$0x190] =	vst v22;
	v22 =	vmul.f32 v9, v6;
	v9 =	vmul.f32 v9, v7  }
0xad: {  	[tilespmem:s22+$0x1A0] =	vst v19;
	v11 =	vadd.f32 v11, v0;
	v19 =	vadd.f32 v26, v1  }
0xae: {  	[tilespmem:s22+$0x1B0] =	vst v15;
	v15 =	vadd.f32 v22, v2;
	v9 =	vadd.f32 v9, v3  }
0xaf: {  	[tilespmem:s22+$0x200] =	vst v13  }
0xb0: {  	[tilespmem:s22+$0x210] =	vst v25  }
0xb1: {  	[tilespmem:s22+$0x220] =	vst v12  }
0xb2: {  	[tilespmem:s22+$0x230] =	vst v20  }
0xb3: {  	[tilespmem:s22+$0x280] =	vst v14  }
0xb4: {  	[tilespmem:s22+$0x290] =	vst v18  }
0xb5: {  	[tilespmem:s22+$0x2A0] =	vst v10  }
0xb6: {  	[tilespmem:s22+$0x2B0] =	vst v16  }
0xb7: {  	[tilespmem:s22+$0x300] =	vst v17  }
0xb8: {  	[tilespmem:s22+$0x310] =	vst v21  }
0xb9: {  	[tilespmem:s22+$0x320] =	vst v23  }
.Ltmp0:
0xba: {  	[tilespmem:s22+$0x330] =	vst v24;
	(pc) =	sbr.rel @p1 .LBB2_3-.Ltmp0, $4  }
0xbb: {  	[tilespmem:s22+$0x380] =	vst v11  }
0xbc: {  	[tilespmem:s22+$0x390] =	vst v19  }
0xbd: {  	[tilespmem:s22+$0x3A0] =	vst v15  }
0xbe: {  	s24 =	sshra.s32 s23, $0x2;
	s23 =	sadd.s32 $0x40, s23;
	[tilespmem:s22+$0x3B0] =	vst v9  }
0xbf: {  	_ =	sdelay $0x3  }
0xc0: {  	v8 =	vld.idx.msk [tilespmem:v8+s24+$0x0 ss:$0x1], $0xffff;
	_ =	sdelay $0x4  }
0xc1: {  	v8 =	vcvt.s32.f32 v8;
	_ =	sdelay $0x1  }
0xc2: {  	v9 =	vbroadcast v8, $0x0;
	_ =	sdelay $0x1  }
0xc3: {  	v10 =	vmul.f32 v9, v4  }
0xc4: {  	v11 =	vmul.f32 v9, v5  }
0xc5: {  	v12 =	vbroadcast v8, $0x1;
	v13 =	vmul.f32 v9, v6;
	v10 =	vadd.f32 v10, v0  }
0xc6: {  	s22 =	sadd.s32 $0x800, s22;
	v9 =	vmul.f32 v9, v7;
	v11 =	vadd.f32 v11, v1  }
0xc7: {  	v14 =	vmul.f32 v12, v4;
	v13 =	vadd.f32 v13, v2;
	[tilespmem:s22+$0xFFFFFC00] =	vst v10  }
0xc8: {  	v38 =	vbroadcast v8, $0x2;
	v15 =	vmul.f32 v12, v6;
	v9 =	vadd.f32 v9, v3;
	[tilespmem:s22+$0xFFFFFC10] =	vst v11  }
0xc9: {  	v37 =	vmul.f32 v12, v5;
	v12 =	vmul.f32 v12, v7;
	v14 =	vadd.f32 v14, v0;
	[tilespmem:s22+$0xFFFFFC20] =	vst v13  }
0xca: {  	v42 =	vbroadcast v8, $0x3;
	v41 =	vmul.f32 v38, v5;
	v40 =	vadd.f32 v15, v2;
	[tilespmem:s22+$0xFFFFFC30] =	vst v9  }
0xcb: {  	v53 =	vbroadcast v8, $0x5;
	v43 =	vmul.f32 v38, v6;
	v12 =	vadd.f32 v12, v3;
	[tilespmem:s22+$0xFFFFFC80] =	vst v14  }
0xcc: {  	v63 =	vbroadcast v8, $0x7;
	v48 =	vmul.f32 v42, v6;
	v44 =	vadd.f32 v41, v1;
	[tilespmem:s22+$0xFFFFFCA0] =	vst v40  }
0xcd: {  	v21 =	vbroadcast v8, $0x8;
	v58 =	vmul.f32 v53, v6;
	v45 =	vadd.f32 v43, v2;
	[tilespmem:s22+$0xFFFFFCB0] =	vst v12  }
0xce: {  	v22 =	vmul.f32 v63, v6;
	v50 =	vadd.f32 v48, v2;
	[tilespmem:s22+$0xFFFFFD10] =	vst v44  }
0xcf: {  	v26 =	vmul.f32 v21, v6;
	v60 =	vadd.f32 v58, v2;
	[tilespmem:s22+$0xFFFFFD20] =	vst v45  }
0xd0: {  	v24 =	vadd.f32 v22, v2;
	[tilespmem:s22+$0xFFFFFDA0] =	vst v50  }
0xd1: {  	v49 =	vbroadcast v8, $0x4;
	v39 =	vmul.f32 v38, v4;
	v28 =	vadd.f32 v26, v2;
	[tilespmem:s22+$0xFFFFFEA0] =	vst v60  }
0xd2: {  	v46 =	vmul.f32 v42, v4;
	v10 =	vadd.f32 v37, v1;
	[tilespmem:s22+$0xFFFFFFA0] =	vst v24  }
0xd3: {  	v51 =	vmul.f32 v49, v4;
	v9 =	vadd.f32 v39, v0;
	[tilespmem:s22+$0x20] =	vst v28  }
0xd4: {  	v52 =	vmul.f32 v49, v5;
	v14 =	vadd.f32 v46, v0;
	[tilespmem:s22+$0xFFFFFC90] =	vst v10  }
0xd5: {  	v11 =	vmul.f32 v38, v7;
	v12 =	vadd.f32 v51, v0;
	[tilespmem:s22+$0xFFFFFD00] =	vst v9  }
0xd6: {  	v47 =	vmul.f32 v42, v5;
	v13 =	vadd.f32 v52, v1;
	[tilespmem:s22+$0xFFFFFD80] =	vst v14  }
0xd7: {  	v59 =	vbroadcast v8, $0x6;
	v54 =	vmul.f32 v49, v6;
	v11 =	vadd.f32 v11, v3;
	[tilespmem:s22+$0xFFFFFE00] =	vst v12  }
0xd8: {  	v31 =	vbroadcast v8, $0xA;
	v57 =	vmul.f32 v53, v5;
	v9 =	vadd.f32 v47, v1;
	[tilespmem:s22+$0xFFFFFE10] =	vst v13  }
0xd9: {  	v61 =	vmul.f32 v59, v4;
	v14 =	vadd.f32 v54, v2;
	[tilespmem:s22+$0xFFFFFD30] =	vst v11  }
0xda: {  	v37 =	vmul.f32 v31, v6;
	v12 =	vadd.f32 v57, v1;
	[tilespmem:s22+$0xFFFFFD90] =	vst v9  }
0xdb: {  	v10 =	vmul.f32 v42, v7;
	v13 =	vadd.f32 v61, v0;
	[tilespmem:s22+$0xFFFFFE20] =	vst v14  }
0xdc: {  	v55 =	vmul.f32 v49, v7;
	v39 =	vadd.f32 v37, v2;
	[tilespmem:s22+$0xFFFFFE90] =	vst v12  }
0xdd: {  	v36 =	vbroadcast v8, $0xB;
	v17 =	vmul.f32 v59, v6;
	v10 =	vadd.f32 v10, v3;
	[tilespmem:s22+$0xFFFFFF00] =	vst v13  }
0xde: {  	v20 =	vmul.f32 v63, v5;
	v11 =	vadd.f32 v55, v3;
	[tilespmem:s22+$0x120] =	vst v39  }
0xdf: {  	v42 =	vmul.f32 v36, v6;
	v14 =	vadd.f32 v17, v2;
	[tilespmem:s22+$0xFFFFFDB0] =	vst v10  }
0xe0: {  	v27 =	vbroadcast v8, $0x9;
	v56 =	vmul.f32 v53, v4;
	v13 =	vadd.f32 v20, v1;
	[tilespmem:s22+$0xFFFFFE30] =	vst v11  }
0xe1: {  	v18 =	vmul.f32 v59, v7;
	v9 =	vmul.f32 v53, v7;
	v43 =	vadd.f32 v42, v2;
	[tilespmem:s22+$0xFFFFFF20] =	vst v14  }
0xe2: {  	v29 =	vmul.f32 v27, v4;
	v41 =	vbroadcast v8, $0xC;
	v10 =	vadd.f32 v56, v0;
	[tilespmem:s22+$0xFFFFFF90] =	vst v13  }
0xe3: {  	v51 =	vbroadcast v8, $0xE;
	v12 =	vmul.f32 v63, v7;
	v9 =	vadd.f32 v9, v3;
	[tilespmem:s22+$0x1A0] =	vst v43  }
0xe4: {  	v47 =	vbroadcast v8, $0xD;
	v8 =	vbroadcast v8, $0xF;
	v11 =	vadd.f32 v18, v3;
	[tilespmem:s22+$0xFFFFFE80] =	vst v10  }
0xe5: {  	v32 =	vmul.f32 v27, v6;
	v12 =	vadd.f32 v12, v3;
	[tilespmem:s22+$0xFFFFFEB0] =	vst v9  }
0xe6: {  	v58 =	vmul.f32 v8, v4;
	v61 =	vmul.f32 v8, v6;
	v13 =	vadd.f32 v29, v0;
	[tilespmem:s22+$0xFFFFFF30] =	vst v11  }
0xe7: {  	v60 =	vmul.f32 v8, v5;
	v8 =	vmul.f32 v8, v7;
	v14 =	vadd.f32 v32, v2;
	[tilespmem:s22+$0xFFFFFFB0] =	vst v12  }
0xe8: {  	v62 =	vmul.f32 v59, v5;
	v19 =	vmul.f32 v63, v4;
	v63 =	vadd.f32 v61, v2;
	[tilespmem:s22+$0x80] =	vst v13  }
0xe9: {  	v8 =	vadd.f32 v8, v3;
	[tilespmem:s22+$0xA0] =	vst v14  }
0xea: {  	v23 =	vmul.f32 v21, v4;
	v10 =	vadd.f32 v62, v1;
	[tilespmem:s22+$0x3A0] =	vst v63  }
0xeb: {  	v33 =	vmul.f32 v27, v7;
	v9 =	vadd.f32 v19, v0;
	[tilespmem:s22+$0x3B0] =	vst v8  }
0xec: {  	v35 =	vmul.f32 v31, v5;
	v11 =	vadd.f32 v23, v0;
	[tilespmem:s22+$0xFFFFFF10] =	vst v10  }
0xed: {  	v44 =	vmul.f32 v41, v4;
	v12 =	vadd.f32 v33, v3;
	[tilespmem:s22+$0xFFFFFF80] =	vst v9  }
0xee: {  	v56 =	vmul.f32 v51, v6;
	v13 =	vadd.f32 v35, v1;
	[tilespmem:s22+$0x0] =	vst v11  }
0xef: {  	v14 =	vadd.f32 v44, v0;
	[tilespmem:s22+$0xB0] =	vst v12  }
0xf0: {  	v25 =	vmul.f32 v21, v5;
	v57 =	vadd.f32 v56, v2;
	[tilespmem:s22+$0x110] =	vst v13  }
0xf1: {  	v30 =	vmul.f32 v27, v5;
	v62 =	vadd.f32 v60, v1;
	[tilespmem:s22+$0x200] =	vst v14  }
0xf2: {  	v38 =	vmul.f32 v36, v4;
	v9 =	vadd.f32 v25, v1;
	[tilespmem:s22+$0x320] =	vst v57  }
0xf3: {  	v50 =	vmul.f32 v47, v5;
	v11 =	vadd.f32 v30, v1;
	[tilespmem:s22+$0x390] =	vst v62  }
0xf4: {  	v52 =	vmul.f32 v47, v6;
	v12 =	vadd.f32 v38, v0;
	[tilespmem:s22+$0x10] =	vst v9  }
0xf5: {  	v10 =	vmul.f32 v21, v7;
	v13 =	vadd.f32 v50, v1;
	[tilespmem:s22+$0x90] =	vst v11  }
0xf6: {  	v45 =	vmul.f32 v41, v5;
	v14 =	vadd.f32 v52, v2;
	[tilespmem:s22+$0x180] =	vst v12  }
0xf7: {  	v10 =	vadd.f32 v10, v3;
	[tilespmem:s22+$0x290] =	vst v13  }
0xf8: {  	v34 =	vmul.f32 v31, v4;
	v12 =	vadd.f32 v45, v1;
	[tilespmem:s22+$0x2A0] =	vst v14  }
0xf9: {  	v9 =	vmul.f32 v31, v7;
	v13 =	vadd.f32 v58, v0;
	[tilespmem:s22+$0x30] =	vst v10  }
0xfa: {  	v11 =	vmul.f32 v36, v7;
	v10 =	vadd.f32 v34, v0;
	[tilespmem:s22+$0x210] =	vst v12  }
0xfb: {  	v40 =	vmul.f32 v36, v5;
	v9 =	vadd.f32 v9, v3;
	[tilespmem:s22+$0x380] =	vst v13  }
0xfc: {  	v48 =	vmul.f32 v41, v7;
	v11 =	vadd.f32 v11, v3;
	[tilespmem:s22+$0x100] =	vst v10  }
0xfd: {  	v49 =	vmul.f32 v47, v4;
	v10 =	vadd.f32 v40, v1;
	[tilespmem:s22+$0x130] =	vst v9  }
0xfe: {  	v12 =	vmul.f32 v51, v7;
	[tilespmem:s22+$0x1B0] =	vst v11;
	v9 =	vadd.f32 v48, v3  }
0xff: {  	v46 =	vmul.f32 v41, v6;
	v11 =	vadd.f32 v49, v0;
	[tilespmem:s22+$0x190] =	vst v10  }
0x100: {  	v54 =	vmul.f32 v51, v4;
	v59 =	vadd.f32 v12, v3;
	[tilespmem:s22+$0x230] =	vst v9  }
0x101: {  	v55 =	vmul.f32 v51, v5;
	v10 =	vadd.f32 v46, v2;
	[tilespmem:s22+$0x280] =	vst v11  }
0x102: {  	v53 =	vmul.f32 v47, v7;
	v9 =	vadd.f32 v54, v0;
	[tilespmem:s22+$0x330] =	vst v59  }
0x103: {  	s31 =	smul.u32 $0x6400, s20;
	v11 =	vadd.f32 v55, v1;
	[tilespmem:s22+$0x220] =	vst v10  }
0x104: {  	s23 =	smul.u32 $0xC80, s20;
	s18 =	sshll.u32 s18, $0x1;
	p1 =	sne.s32 s17, $0x100;
	v10 =	vadd.f32 v53, v3;
	[tilespmem:s22+$0x300] =	vst v9  }
.Ltmp1:
0x105: {  	s19 =	sadd.s32 $0x6880, s19;
	s20 =	sshrl.u32 s31, $0x3;
	[tilespmem:s22+$0x310] =	vst v11;
	(pc) =	sbr.rel @p1 .LBB2_2-.Ltmp1, $4  }
0x106: {  	s30 =	sadd.s32 $0x2, s18;
	s23 =	sadd.s32 s5, s23;
	s20 =	sadd.s32 s5, s20;
	[tilespmem:s22+$0x2B0] =	vst v10  }
0x107: {  	[hbm4b:s23+s4] =	stream.linear.scatter [tilespmem:s21], [sflag:s30], $0x6400, $0x38;
	[tilespmem:$0x19480] =	vst v63  }
0x108: {  	p0 =	por !p0, !p0;
	s18 =	sadd.s32 $0x3, s18;
	s20 =	sadd.s32 $0xC80, s20  }
0x109: {  	[hbm4b:s20+s4] =	stream.linear.scatter [tilespmem:s19], [sflag:s18], $0x6400, $0x38;
	[tilespmem:$0x19480] =	vst v63  }
0x10a: {  	_ =	swait.ge [sflag:s12], $0x6400  }
0x10b: {  	[sflag:s12] =	ssyncset.done $0x0  }
0x10c: {  	[sflag:s12] =	ssyncadd.s32 $0xFFFF9C00  }
0x10d: {  	_ =	swait.ge [sflag:s13], $0x6400  }
0x10e: {  	[sflag:s13] =	ssyncset.done $0x0  }
0x10f: {  	s16 =	sadd.s32 $0x1, s16;
	[sflag:s13] =	ssyncadd.s32 $0xFFFF9C00  }
0x110: {  	p0 =	sne.s32 s16, s8;
	_ =	swait.ge [sflag:s14], $0x6400  }
.Ltmp2:
0x111: {  	[sflag:s14] =	ssyncset.done $0x0;
	(pc) =	sbr.rel @p0 .LBB2_1-.Ltmp2, $4  }
0x112: {  	[sflag:s14] =	ssyncadd.s32 $0xFFFF9C00  }
0x113: {  	_ =	swait.ge [sflag:s15], $0x6400  }
0x114: {  	[sflag:s15] =	ssyncset.done $0x0  }
0x115: {  	[sflag:s15] =	ssyncadd.s32 $0xFFFF9C00  }
0x116: {  	_ =	sfence.sel $0x180000  }
0x117: {  	[bflag:$0x0] =	sbarrier.arrive $0xFFFF  }
0x118: {  	p0 =	sne.s32 s2, $0x0;
	_ =	strace $0x90000047  }
0x119: {  	s0 =	sadd.s32 @!p0 $0x100000, s1;
	[bflag:$0x2] =	sbarrier.arrive $0xFFFF  }
0x11a: {  	[sflag:s0] =	ssyncadd.tile.s32 @!p0 $0x1;
	_ =	shalt  }
.Lfunc_end2:
_tile_overlayer_lowered:
.L_overlay_start_2:
0x11b: {  	(tag) =	ssettag $0x2  }
0x11c: {  	s0 =	rddreg [dreg:$0x0];
	s2 =	stileid.u32  }
0x11d: {  	s1 =	rddreg [dreg:$0x1];
	p0 =	sne.s32 s2, $0x0  }
0x11e: {  	s3 =	rddreg [dreg:$0x2];
	[bflag:$0x3] =	sbarrier.arrive $0xFFFF;
	s2 =	simm.s32 @!p0 $0x1C06  }
0x11f: {  	[timem:s3], [sflag:s2] =	dma.local @!p0 [hbm:s0], s1  }
0x120: {  	s0 =	simm.s32 @!p0 $0x6  }
0x121: {  	_ =	swait.ge @!p0 [sflag:s0], s1  }
0x122: {  	s1 =	ssub.s32 @!p0 $0x0, s1;
	[sflag:s0] =	ssyncset.done @!p0 $0x0  }
0x123: {  	[sflag:s0] =	ssyncadd.s32 @!p0 s1  }
0x124: {  	[bflag:$0x3] =	sbarrier.arrive $0xFFFF  }
0x125: {  	_ =	shalt  }

</sc_bundles>
